<compile_context>
chip_gen: v7x
topology: tpu7x:2x2x1
jax: 0.10.2.dev20260603
libtpu: 0.0.44.dev20260713+nightly
codegen_flags: <defaults>
</compile_context>

<pallas_src>
import functools

import jax
import jax.numpy as jnp
from jax import lax
from jax.experimental import pallas as pl
from jax.experimental.pallas import tpu as pltpu
from jax.experimental.pallas import tpu_sc as plsc

N_NODES = 10000
N_EDGES = 320000
D = 128

NC = 2
NS = 16
NW = NC * NS

CHUNK = 128
CH = 80
EP = NW * CH * CHUNK
ACC_ROWS = 10240
RPT = ACC_ROWS // NS


CHH = CH // 2


def _sc_agg_body(src_hbm, dst_hbm, x_hbm, out_hbm,
                 src_v, dst_v, rows_v, acc_sh, gsem0, gsem1):
    c = lax.axis_index("c")
    s = lax.axis_index("s")
    wid = s * NC + c

    def _zero_row(i, carry):
        for j in range(D // 16):
            rows_v[0, i, pl.ds(j * 16, 16)] = jnp.zeros((16,), jnp.float32)
        return carry

    lax.fori_loop(0, 128, _zero_row, 0)
    for k in range(RPT // 128):
        pltpu.sync_copy(rows_v.at[0], acc_sh.at[pl.ds(s * RPT + k * 128, 128)])
    plsc.subcore_barrier()

    sems = (gsem0, gsem1)

    for half in range(2):
        base = wid * CH + half * CHH
        pltpu.sync_copy(src_hbm.at[pl.ds(base, CHH)], src_v)
        pltpu.sync_copy(dst_hbm.at[pl.ds(base, CHH)], dst_v)

        for b in range(2):
            pltpu.async_copy(x_hbm.at[src_v.at[b]], rows_v.at[b], sems[b])

        def _body(i, carry):
            g = i * 2
            for b in range(2):
                j = g + b
                pltpu.make_async_copy(x_hbm.at[src_v.at[j]], rows_v.at[b],
                                      sems[b]).wait()
                pltpu.sync_copy(rows_v.at[b], acc_sh.at[dst_v.at[j]],
                                add=True)
                nxt = j + 2

                @pl.when(nxt < CHH)
                def _():
                    pltpu.async_copy(x_hbm.at[src_v.at[nxt]], rows_v.at[b],
                                     sems[b])
            return carry

        lax.fori_loop(0, CHH // 2, _body, 0)
    plsc.subcore_barrier()

    for k in range(RPT // 128):
        r0 = s * RPT + k * 128
        pltpu.sync_copy(acc_sh.at[pl.ds(r0, 128)], out_hbm.at[c, pl.ds(r0, 128)])


_sc_agg = functools.partial(
    pl.kernel,
    mesh=plsc.VectorSubcoreMesh(core_axis_name="c", subcore_axis_name="s"),
    out_type=jax.ShapeDtypeStruct((NC, ACC_ROWS, D), jnp.float32),
    scratch_types=[
        pltpu.VMEM((CH // 2, CHUNK), jnp.int32),
        pltpu.VMEM((CH // 2, CHUNK), jnp.int32),
        pltpu.VMEM((2, CHUNK, D), jnp.float32),
        pltpu.VMEM_SHARED((ACC_ROWS, D), jnp.float32),
        pltpu.SemaphoreType.DMA,
        pltpu.SemaphoreType.DMA,
    ],
)(_sc_agg_body)


def _tc_body(h0_ref, h1_ref, x_ref, wl_ref, ws_ref, bl_ref, bs_ref, bb_ref,
             o_ref):
    hsum = h0_ref[0] + h1_ref[0]
    acc = lax.dot_general(hsum, wl_ref[...], (((1,), (1,)), ((), ())),
                          preferred_element_type=jnp.float32)
    acc = acc + lax.dot_general(x_ref[...], ws_ref[...],
                                (((1,), (1,)), ((), ())),
                                preferred_element_type=jnp.float32)
    o_ref[...] = acc + (bl_ref[...] + bs_ref[...] + bb_ref[...])


def _tc_linear(h, x, W_lin, W_self, b_lin, b_self, bias):
    blk = 1000
    return pl.pallas_call(
        _tc_body,
        grid=(N_NODES // blk,),
        in_specs=[
            pl.BlockSpec((1, blk, D), lambda i: (0, i, 0)),
            pl.BlockSpec((1, blk, D), lambda i: (1, i, 0)),
            pl.BlockSpec((blk, D), lambda i: (i, 0)),
            pl.BlockSpec((D, D), lambda i: (0, 0)),
            pl.BlockSpec((D, D), lambda i: (0, 0)),
            pl.BlockSpec((1, D), lambda i: (0, 0)),
            pl.BlockSpec((1, D), lambda i: (0, 0)),
            pl.BlockSpec((1, D), lambda i: (0, 0)),
        ],
        out_specs=pl.BlockSpec((blk, D), lambda i: (i, 0)),
        out_shape=jax.ShapeDtypeStruct((N_NODES, D), jnp.float32),
    )(h, h, x, W_lin, W_self,
      b_lin.reshape(1, D), b_self.reshape(1, D), bias.reshape(1, D))


def kernel(x, edge_index, W_lin, b_lin, W_self, b_self, bias):
    ei = edge_index.astype(jnp.int32)
    src = ei[0]
    dst = ei[1]
    pad_n = EP - N_EDGES
    pad_pos = jnp.arange(pad_n, dtype=jnp.int32)
    pad_src = pad_pos % N_NODES
    pad_dst = N_NODES + pad_pos % (ACC_ROWS - N_NODES)
    src_p = jnp.concatenate([src, pad_src]).reshape(EP // CHUNK, CHUNK)
    dst_p = jnp.concatenate([dst, pad_dst]).reshape(EP // CHUNK, CHUNK)
    h = _sc_agg(src_p, dst_p, x)
    return _tc_linear(h, x, W_lin, W_self, b_lin, b_self, bias)

# --- scband reference (transcript-rebuilt; emitter-appended) ---
"""Pipeline reference for scband-graph-conv-layer-38319698214998 (READ-ONLY COPY).

The authoritative reference and input builder live on the scoring server;
editing this copy changes nothing except your own understanding.
"""

import jax, jax.numpy as jnp
import numpy as np

N_NODES = 10000
N_EDGES = 320000
D_IN = 128
D_OUT = 128


def setup_inputs(seed: int = 0) -> dict:
    key = jax.random.key(seed)
    k_x, k_e, k_wl, k_bl, k_ws, k_bs = jax.random.split(key, 6)
    x = jax.random.normal(k_x, (N_NODES, D_IN), dtype=jnp.float32)
    edge_index = jax.random.randint(k_e, (2, N_EDGES), 0, N_NODES, dtype=jnp.int64)
    # Linear layer params (PyTorch nn.Linear default init: U(-1/sqrt(fan_in), 1/sqrt(fan_in)))
    bound = 1.0 / np.sqrt(D_IN)
    W_lin = jax.random.uniform(k_wl, (D_OUT, D_IN), minval=-bound, maxval=bound, dtype=jnp.float32)
    b_lin = jax.random.uniform(k_bl, (D_OUT,), minval=-bound, maxval=bound, dtype=jnp.float32)
    W_self = jax.random.uniform(k_ws, (D_OUT, D_IN), minval=-bound, maxval=bound, dtype=jnp.float32)
    b_self = jax.random.uniform(k_bs, (D_OUT,), minval=-bound, maxval=bound, dtype=jnp.float32)
    bias = jnp.zeros((D_OUT,), dtype=jnp.float32)
    return {"x": x, "edge_index": edge_index, "W_lin": W_lin, "b_lin": b_lin,
            "W_self": W_self, "b_self": b_self, "bias": bias}


def reference(x, edge_index, W_lin, b_lin, W_self, b_self, bias):
    # DGL update_all(copy_src 'h' -> 'msg', reduce: sum over mailbox dim)
    # == scatter-add of source node features onto destination nodes.
    src = edge_index[0]
    dst = edge_index[1]
    msgs = jnp.take(x, src, axis=0)                      # gather: [E, D_IN]
    h = jnp.zeros((N_NODES, D_IN), dtype=x.dtype).at[dst].add(msgs)  # scatter-add
    # h = self.linear(h)
    h = h @ W_lin.T + b_lin
    # return h + self.self_loop_w(x) + self.bias
    return h + (x @ W_self.T + b_self) + bias

if __name__ == "__main__":
    import jax
    _d = setup_inputs()
    print(jax.jit(kernel)(*tuple(_d.values())))

</pallas_src>

<mosaic_0001>
#map = affine_map<(d0, d1) -> (0, 0)>
#map1 = affine_map<(d0, d1) -> (0, 0, 0)>
module attributes {stable_mosaic.version = 14 : i64} {
  func.func @_sc_agg_body(%arg0: i32, %arg1: i32, %arg2: memref<2560x128xi32, #tpu.memory_space<hbm>>, %arg3: memref<2560x128xi32, #tpu.memory_space<hbm>>, %arg4: memref<10000x128xf32, #tpu.memory_space<hbm>>, %arg5: memref<2x10240x128xf32, #tpu.memory_space<hbm>>, %arg6: memref<40x128xi32, #tpu.memory_space<vmem>>, %arg7: memref<40x128xi32, #tpu.memory_space<vmem>>, %arg8: memref<2x128x128xf32, #tpu.memory_space<vmem>>, %arg9: memref<10240x128xf32, #tpu.memory_space<vmem_shared>>, %arg10: memref<!tpu.dma_semaphore, #tpu.memory_space<semaphore_mem>>, %arg11: memref<!tpu.dma_semaphore, #tpu.memory_space<semaphore_mem>>) attributes {dimension_semantics = [#tpu.dimension_semantics<core_parallel>, #tpu.dimension_semantics<subcore_parallel>], iteration_bounds = array<i64: 2, 16>, scalar_prefetch = 0 : i64, scratch_operands = 6 : i64, tpu.core_type = #tpu.core_type<sc_vector_subcore>, window_params = [{transform_indices = #map}, {transform_indices = #map}, {transform_indices = #map}, {transform_indices = #map1}]} {
    %mul3A = arith.constant 2 : i32
    %mul3A_0 = arith.muli %arg1, %mul3A : i32
    %add3A = arith.addi %mul3A_0, %arg0 : i32
    %scan3A = arith.constant 0 : i32
    %scan3A_1 = arith.constant 0 : i32
    %scan3A_2 = arith.constant 128 : i32
    %scan3A_3 = arith.addi %scan3A_1, %scan3A_2 : i32
    %scan3A_4 = arith.constant 1 : i32
    scf.for %scan3A_118 = %scan3A_1 to %scan3A_3 step %scan3A_4  : i32 {
      %broadcast_in_dim3A = arith.constant 0.000000e+00 : f32
      %broadcast_in_dim3A_119 = vector.broadcast %broadcast_in_dim3A : f32 to vector<16xf32>
      %swap3A = arith.constant 0 : i32
      %swap3A_120 = arith.index_cast %swap3A : i32 to index
      %swap3A_121 = arith.index_cast %scan3A_118 : i32 to index
      %swap3A_122 = arith.constant 0 : index
      %swap3A_123 = tpu.vector_load %arg8[%swap3A_120, %swap3A_121, %swap3A_122] {strides = array<i32>} : memref<2x128x128xf32, #tpu.memory_space<vmem>>, vector<1x1x16xf32>,
      %swap3A_124 = vector.shape_cast %swap3A_123 : vector<1x1x16xf32> to vector<16xf32>
      %swap3A_125 = vector.shape_cast %broadcast_in_dim3A_119 : vector<16xf32> to vector<1x1x16xf32>
      tpu.vector_store %arg8[%swap3A_120, %swap3A_121, %swap3A_122], %swap3A_125 {strides = array<i32>} : memref<2x128x128xf32, #tpu.memory_space<vmem>>, vector<1x1x16xf32>,
      %broadcast_in_dim3A_126 = arith.constant 0.000000e+00 : f32
      %broadcast_in_dim3A_127 = vector.broadcast %broadcast_in_dim3A_126 : f32 to vector<16xf32>
      %swap3A_128 = arith.constant 0 : i32
      %swap3A_129 = arith.index_cast %swap3A_128 : i32 to index
      %swap3A_130 = arith.index_cast %scan3A_118 : i32 to index
      %swap3A_131 = arith.constant 16 : index
      %swap3A_132 = tpu.vector_load %arg8[%swap3A_129, %swap3A_130, %swap3A_131] {strides = array<i32>} : memref<2x128x128xf32, #tpu.memory_space<vmem>>, vector<1x1x16xf32>,
      %swap3A_133 = vector.shape_cast %swap3A_132 : vector<1x1x16xf32> to vector<16xf32>
      %swap3A_134 = vector.shape_cast %broadcast_in_dim3A_127 : vector<16xf32> to vector<1x1x16xf32>
      tpu.vector_store %arg8[%swap3A_129, %swap3A_130, %swap3A_131], %swap3A_134 {strides = array<i32>} : memref<2x128x128xf32, #tpu.memory_space<vmem>>, vector<1x1x16xf32>,
      %broadcast_in_dim3A_135 = arith.constant 0.000000e+00 : f32
      %broadcast_in_dim3A_136 = vector.broadcast %broadcast_in_dim3A_135 : f32 to vector<16xf32>
      %swap3A_137 = arith.constant 0 : i32
      %swap3A_138 = arith.index_cast %swap3A_137 : i32 to index
      %swap3A_139 = arith.index_cast %scan3A_118 : i32 to index
      %swap3A_140 = arith.constant 32 : index
      %swap3A_141 = tpu.vector_load %arg8[%swap3A_138, %swap3A_139, %swap3A_140] {strides = array<i32>} : memref<2x128x128xf32, #tpu.memory_space<vmem>>, vector<1x1x16xf32>,
      %swap3A_142 = vector.shape_cast %swap3A_141 : vector<1x1x16xf32> to vector<16xf32>
      %swap3A_143 = vector.shape_cast %broadcast_in_dim3A_136 : vector<16xf32> to vector<1x1x16xf32>
      tpu.vector_store %arg8[%swap3A_138, %swap3A_139, %swap3A_140], %swap3A_143 {strides = array<i32>} : memref<2x128x128xf32, #tpu.memory_space<vmem>>, vector<1x1x16xf32>,
      %broadcast_in_dim3A_144 = arith.constant 0.000000e+00 : f32
      %broadcast_in_dim3A_145 = vector.broadcast %broadcast_in_dim3A_144 : f32 to vector<16xf32>
      %swap3A_146 = arith.constant 0 : i32
      %swap3A_147 = arith.index_cast %swap3A_146 : i32 to index
      %swap3A_148 = arith.index_cast %scan3A_118 : i32 to index
      %swap3A_149 = arith.constant 48 : index
      %swap3A_150 = tpu.vector_load %arg8[%swap3A_147, %swap3A_148, %swap3A_149] {strides = array<i32>} : memref<2x128x128xf32, #tpu.memory_space<vmem>>, vector<1x1x16xf32>,
      %swap3A_151 = vector.shape_cast %swap3A_150 : vector<1x1x16xf32> to vector<16xf32>
      %swap3A_152 = vector.shape_cast %broadcast_in_dim3A_145 : vector<16xf32> to vector<1x1x16xf32>
      tpu.vector_store %arg8[%swap3A_147, %swap3A_148, %swap3A_149], %swap3A_152 {strides = array<i32>} : memref<2x128x128xf32, #tpu.memory_space<vmem>>, vector<1x1x16xf32>,
      %broadcast_in_dim3A_153 = arith.constant 0.000000e+00 : f32
      %broadcast_in_dim3A_154 = vector.broadcast %broadcast_in_dim3A_153 : f32 to vector<16xf32>
      %swap3A_155 = arith.constant 0 : i32
      %swap3A_156 = arith.index_cast %swap3A_155 : i32 to index
      %swap3A_157 = arith.index_cast %scan3A_118 : i32 to index
      %swap3A_158 = arith.constant 64 : index
      %swap3A_159 = tpu.vector_load %arg8[%swap3A_156, %swap3A_157, %swap3A_158] {strides = array<i32>} : memref<2x128x128xf32, #tpu.memory_space<vmem>>, vector<1x1x16xf32>,
      %swap3A_160 = vector.shape_cast %swap3A_159 : vector<1x1x16xf32> to vector<16xf32>
      %swap3A_161 = vector.shape_cast %broadcast_in_dim3A_154 : vector<16xf32> to vector<1x1x16xf32>
      tpu.vector_store %arg8[%swap3A_156, %swap3A_157, %swap3A_158], %swap3A_161 {strides = array<i32>} : memref<2x128x128xf32, #tpu.memory_space<vmem>>, vector<1x1x16xf32>,
      %broadcast_in_dim3A_162 = arith.constant 0.000000e+00 : f32
      %broadcast_in_dim3A_163 = vector.broadcast %broadcast_in_dim3A_162 : f32 to vector<16xf32>
      %swap3A_164 = arith.constant 0 : i32
      %swap3A_165 = arith.index_cast %swap3A_164 : i32 to index
      %swap3A_166 = arith.index_cast %scan3A_118 : i32 to index
      %swap3A_167 = arith.constant 80 : index
      %swap3A_168 = tpu.vector_load %arg8[%swap3A_165, %swap3A_166, %swap3A_167] {strides = array<i32>} : memref<2x128x128xf32, #tpu.memory_space<vmem>>, vector<1x1x16xf32>,
      %swap3A_169 = vector.shape_cast %swap3A_168 : vector<1x1x16xf32> to vector<16xf32>
      %swap3A_170 = vector.shape_cast %broadcast_in_dim3A_163 : vector<16xf32> to vector<1x1x16xf32>
      tpu.vector_store %arg8[%swap3A_165, %swap3A_166, %swap3A_167], %swap3A_170 {strides = array<i32>} : memref<2x128x128xf32, #tpu.memory_space<vmem>>, vector<1x1x16xf32>,
      %broadcast_in_dim3A_171 = arith.constant 0.000000e+00 : f32
      %broadcast_in_dim3A_172 = vector.broadcast %broadcast_in_dim3A_171 : f32 to vector<16xf32>
      %swap3A_173 = arith.constant 0 : i32
      %swap3A_174 = arith.index_cast %swap3A_173 : i32 to index
      %swap3A_175 = arith.index_cast %scan3A_118 : i32 to index
      %swap3A_176 = arith.constant 96 : index
      %swap3A_177 = tpu.vector_load %arg8[%swap3A_174, %swap3A_175, %swap3A_176] {strides = array<i32>} : memref<2x128x128xf32, #tpu.memory_space<vmem>>, vector<1x1x16xf32>,
      %swap3A_178 = vector.shape_cast %swap3A_177 : vector<1x1x16xf32> to vector<16xf32>
      %swap3A_179 = vector.shape_cast %broadcast_in_dim3A_172 : vector<16xf32> to vector<1x1x16xf32>
      tpu.vector_store %arg8[%swap3A_174, %swap3A_175, %swap3A_176], %swap3A_179 {strides = array<i32>} : memref<2x128x128xf32, #tpu.memory_space<vmem>>, vector<1x1x16xf32>,
      %broadcast_in_dim3A_180 = arith.constant 0.000000e+00 : f32
      %broadcast_in_dim3A_181 = vector.broadcast %broadcast_in_dim3A_180 : f32 to vector<16xf32>
      %swap3A_182 = arith.constant 0 : i32
      %swap3A_183 = arith.index_cast %swap3A_182 : i32 to index
      %swap3A_184 = arith.index_cast %scan3A_118 : i32 to index
      %swap3A_185 = arith.constant 112 : index
      %swap3A_186 = tpu.vector_load %arg8[%swap3A_183, %swap3A_184, %swap3A_185] {strides = array<i32>} : memref<2x128x128xf32, #tpu.memory_space<vmem>>, vector<1x1x16xf32>,
      %swap3A_187 = vector.shape_cast %swap3A_186 : vector<1x1x16xf32> to vector<16xf32>
      %swap3A_188 = vector.shape_cast %broadcast_in_dim3A_181 : vector<16xf32> to vector<1x1x16xf32>
      tpu.vector_store %arg8[%swap3A_183, %swap3A_184, %swap3A_185], %swap3A_188 {strides = array<i32>} : memref<2x128x128xf32, #tpu.memory_space<vmem>>, vector<1x1x16xf32>,
    }
    %scan3A_5 = arith.constant 128 : i32
    %mul3A_6 = arith.constant 640 : i32
    %mul3A_7 = arith.muli %arg1, %mul3A_6 : i32
    %add3A_8 = arith.constant 0 : i32
    %add3A_9 = arith.addi %mul3A_7, %add3A_8 : i32
    %run_scoped3A = arith.constant 0 : i32
    "tpu.region"() ({
      %run_scoped3A_118 = tpu.sem_alloc : memref<!tpu.dma_semaphore, #tpu.memory_space<semaphore_mem>>
      %dma_start3A_119 = arith.constant 0 : i32
      %dma_start3A_120 = arith.constant 0 : i32
      %dma_start3A_121 = tpu.memref_slice %arg8[%run_scoped3A, %dma_start3A_119, %dma_start3A_120] : memref<2x128x128xf32, #tpu.memory_space<vmem>> -> memref<1x128x128xf32, #tpu.memory_space<vmem>>
      %dma_start3A_122 = tpu.memref_squeeze %dma_start3A_121 : memref<1x128x128xf32, #tpu.memory_space<vmem>> -> memref<128x128xf32, #tpu.memory_space<vmem>>
      %dma_start3A_123 = arith.constant 0 : i32
      %dma_start3A_124 = tpu.memref_slice %arg9[%add3A_9, %dma_start3A_123] : memref<10240x128xf32, #tpu.memory_space<vmem_shared>> -> memref<128x128xf32, #tpu.memory_space<vmem_shared>>
      %dma_start3A_125 = arith.constant 0 : i32
      %dma_start3A_126 = tpu.memref_slice %arg9[%add3A_9, %dma_start3A_125] : memref<10240x128xf32, #tpu.memory_space<vmem_shared>> -> memref<128x128xf32, #tpu.memory_space<vmem_shared>>
      %dma_start3A_127 = arith.constant 0 : i32
      %dma_start3A_128 = arith.constant 0 : i32
      %dma_start3A_129 = tpu.memref_slice %arg8[%run_scoped3A, %dma_start3A_127, %dma_start3A_128] : memref<2x128x128xf32, #tpu.memory_space<vmem>> -> memref<1x128x128xf32, #tpu.memory_space<vmem>>
      %dma_start3A_130 = tpu.memref_squeeze %dma_start3A_129 : memref<1x128x128xf32, #tpu.memory_space<vmem>> -> memref<128x128xf32, #tpu.memory_space<vmem>>
      tpu.enqueue_dma source(%dma_start3A_130 : memref<128x128xf32, #tpu.memory_space<vmem>>) target(%dma_start3A_126 : memref<128x128xf32, #tpu.memory_space<vmem_shared>>) target_semaphore(%run_scoped3A_118 : memref<!tpu.dma_semaphore, #tpu.memory_space<semaphore_mem>>)
      %dma_wait3A = arith.constant 0 : i32
      %dma_wait3A_131 = arith.constant 0 : i32
      %dma_wait3A_132 = tpu.memref_slice %arg8[%run_scoped3A, %dma_wait3A, %dma_wait3A_131] : memref<2x128x128xf32, #tpu.memory_space<vmem>> -> memref<1x128x128xf32, #tpu.memory_space<vmem>>
      %dma_wait3A_133 = tpu.memref_squeeze %dma_wait3A_132 : memref<1x128x128xf32, #tpu.memory_space<vmem>> -> memref<128x128xf32, #tpu.memory_space<vmem>>
      %dma_wait3A_134 = arith.constant 0 : i32
      %dma_wait3A_135 = tpu.memref_slice %arg9[%add3A_9, %dma_wait3A_134] : memref<10240x128xf32, #tpu.memory_space<vmem_shared>> -> memref<128x128xf32, #tpu.memory_space<vmem_shared>>
      %dma_wait3A_136 = arith.constant 0 : i32
      %dma_wait3A_137 = tpu.memref_slice %arg9[%add3A_9, %dma_wait3A_136] : memref<10240x128xf32, #tpu.memory_space<vmem_shared>> -> memref<128x128xf32, #tpu.memory_space<vmem_shared>>
      %dma_wait3A_138 = arith.constant 0 : i32
      %dma_wait3A_139 = arith.constant 0 : i32
      %dma_wait3A_140 = tpu.memref_slice %arg8[%run_scoped3A, %dma_wait3A_138, %dma_wait3A_139] : memref<2x128x128xf32, #tpu.memory_space<vmem>> -> memref<1x128x128xf32, #tpu.memory_space<vmem>>
      %dma_wait3A_141 = tpu.memref_squeeze %dma_wait3A_140 : memref<1x128x128xf32, #tpu.memory_space<vmem>> -> memref<128x128xf32, #tpu.memory_space<vmem>>
      tpu.wait_dma2 semaphore(%run_scoped3A_118 : memref<!tpu.dma_semaphore, #tpu.memory_space<semaphore_mem>>) src(%dma_wait3A_141 : memref<128x128xf32, #tpu.memory_space<vmem>>) dst(%dma_wait3A_137 : memref<128x128xf32, #tpu.memory_space<vmem_shared>>)
      tpu.yield
    }) : () -> ()
    %mul3A_10 = arith.constant 640 : i32
    %mul3A_11 = arith.muli %arg1, %mul3A_10 : i32
    %add3A_12 = arith.constant 128 : i32
    %add3A_13 = arith.addi %mul3A_11, %add3A_12 : i32
    %run_scoped3A_14 = arith.constant 0 : i32
    "tpu.region"() ({
      %run_scoped3A_118 = tpu.sem_alloc : memref<!tpu.dma_semaphore, #tpu.memory_space<semaphore_mem>>
      %dma_start3A_119 = arith.constant 0 : i32
      %dma_start3A_120 = arith.constant 0 : i32
      %dma_start3A_121 = tpu.memref_slice %arg8[%run_scoped3A_14, %dma_start3A_119, %dma_start3A_120] : memref<2x128x128xf32, #tpu.memory_space<vmem>> -> memref<1x128x128xf32, #tpu.memory_space<vmem>>
      %dma_start3A_122 = tpu.memref_squeeze %dma_start3A_121 : memref<1x128x128xf32, #tpu.memory_space<vmem>> -> memref<128x128xf32, #tpu.memory_space<vmem>>
      %dma_start3A_123 = arith.constant 0 : i32
      %dma_start3A_124 = tpu.memref_slice %arg9[%add3A_13, %dma_start3A_123] : memref<10240x128xf32, #tpu.memory_space<vmem_shared>> -> memref<128x128xf32, #tpu.memory_space<vmem_shared>>
      %dma_start3A_125 = arith.constant 0 : i32
      %dma_start3A_126 = tpu.memref_slice %arg9[%add3A_13, %dma_start3A_125] : memref<10240x128xf32, #tpu.memory_space<vmem_shared>> -> memref<128x128xf32, #tpu.memory_space<vmem_shared>>
      %dma_start3A_127 = arith.constant 0 : i32
      %dma_start3A_128 = arith.constant 0 : i32
      %dma_start3A_129 = tpu.memref_slice %arg8[%run_scoped3A_14, %dma_start3A_127, %dma_start3A_128] : memref<2x128x128xf32, #tpu.memory_space<vmem>> -> memref<1x128x128xf32, #tpu.memory_space<vmem>>
      %dma_start3A_130 = tpu.memref_squeeze %dma_start3A_129 : memref<1x128x128xf32, #tpu.memory_space<vmem>> -> memref<128x128xf32, #tpu.memory_space<vmem>>
      tpu.enqueue_dma source(%dma_start3A_130 : memref<128x128xf32, #tpu.memory_space<vmem>>) target(%dma_start3A_126 : memref<128x128xf32, #tpu.memory_space<vmem_shared>>) target_semaphore(%run_scoped3A_118 : memref<!tpu.dma_semaphore, #tpu.memory_space<semaphore_mem>>)
      %dma_wait3A = arith.constant 0 : i32
      %dma_wait3A_131 = arith.constant 0 : i32
      %dma_wait3A_132 = tpu.memref_slice %arg8[%run_scoped3A_14, %dma_wait3A, %dma_wait3A_131] : memref<2x128x128xf32, #tpu.memory_space<vmem>> -> memref<1x128x128xf32, #tpu.memory_space<vmem>>
      %dma_wait3A_133 = tpu.memref_squeeze %dma_wait3A_132 : memref<1x128x128xf32, #tpu.memory_space<vmem>> -> memref<128x128xf32, #tpu.memory_space<vmem>>
      %dma_wait3A_134 = arith.constant 0 : i32
      %dma_wait3A_135 = tpu.memref_slice %arg9[%add3A_13, %dma_wait3A_134] : memref<10240x128xf32, #tpu.memory_space<vmem_shared>> -> memref<128x128xf32, #tpu.memory_space<vmem_shared>>
      %dma_wait3A_136 = arith.constant 0 : i32
      %dma_wait3A_137 = tpu.memref_slice %arg9[%add3A_13, %dma_wait3A_136] : memref<10240x128xf32, #tpu.memory_space<vmem_shared>> -> memref<128x128xf32, #tpu.memory_space<vmem_shared>>
      %dma_wait3A_138 = arith.constant 0 : i32
      %dma_wait3A_139 = arith.constant 0 : i32
      %dma_wait3A_140 = tpu.memref_slice %arg8[%run_scoped3A_14, %dma_wait3A_138, %dma_wait3A_139] : memref<2x128x128xf32, #tpu.memory_space<vmem>> -> memref<1x128x128xf32, #tpu.memory_space<vmem>>
      %dma_wait3A_141 = tpu.memref_squeeze %dma_wait3A_140 : memref<1x128x128xf32, #tpu.memory_space<vmem>> -> memref<128x128xf32, #tpu.memory_space<vmem>>
      tpu.wait_dma2 semaphore(%run_scoped3A_118 : memref<!tpu.dma_semaphore, #tpu.memory_space<semaphore_mem>>) src(%dma_wait3A_141 : memref<128x128xf32, #tpu.memory_space<vmem>>) dst(%dma_wait3A_137 : memref<128x128xf32, #tpu.memory_space<vmem_shared>>)
      tpu.yield
    }) : () -> ()
    %mul3A_15 = arith.constant 640 : i32
    %mul3A_16 = arith.muli %arg1, %mul3A_15 : i32
    %add3A_17 = arith.constant 256 : i32
    %add3A_18 = arith.addi %mul3A_16, %add3A_17 : i32
    %run_scoped3A_19 = arith.constant 0 : i32
    "tpu.region"() ({
      %run_scoped3A_118 = tpu.sem_alloc : memref<!tpu.dma_semaphore, #tpu.memory_space<semaphore_mem>>
      %dma_start3A_119 = arith.constant 0 : i32
      %dma_start3A_120 = arith.constant 0 : i32
      %dma_start3A_121 = tpu.memref_slice %arg8[%run_scoped3A_19, %dma_start3A_119, %dma_start3A_120] : memref<2x128x128xf32, #tpu.memory_space<vmem>> -> memref<1x128x128xf32, #tpu.memory_space<vmem>>
      %dma_start3A_122 = tpu.memref_squeeze %dma_start3A_121 : memref<1x128x128xf32, #tpu.memory_space<vmem>> -> memref<128x128xf32, #tpu.memory_space<vmem>>
      %dma_start3A_123 = arith.constant 0 : i32
      %dma_start3A_124 = tpu.memref_slice %arg9[%add3A_18, %dma_start3A_123] : memref<10240x128xf32, #tpu.memory_space<vmem_shared>> -> memref<128x128xf32, #tpu.memory_space<vmem_shared>>
      %dma_start3A_125 = arith.constant 0 : i32
      %dma_start3A_126 = tpu.memref_slice %arg9[%add3A_18, %dma_start3A_125] : memref<10240x128xf32, #tpu.memory_space<vmem_shared>> -> memref<128x128xf32, #tpu.memory_space<vmem_shared>>
      %dma_start3A_127 = arith.constant 0 : i32
      %dma_start3A_128 = arith.constant 0 : i32
      %dma_start3A_129 = tpu.memref_slice %arg8[%run_scoped3A_19, %dma_start3A_127, %dma_start3A_128] : memref<2x128x128xf32, #tpu.memory_space<vmem>> -> memref<1x128x128xf32, #tpu.memory_space<vmem>>
      %dma_start3A_130 = tpu.memref_squeeze %dma_start3A_129 : memref<1x128x128xf32, #tpu.memory_space<vmem>> -> memref<128x128xf32, #tpu.memory_space<vmem>>
      tpu.enqueue_dma source(%dma_start3A_130 : memref<128x128xf32, #tpu.memory_space<vmem>>) target(%dma_start3A_126 : memref<128x128xf32, #tpu.memory_space<vmem_shared>>) target_semaphore(%run_scoped3A_118 : memref<!tpu.dma_semaphore, #tpu.memory_space<semaphore_mem>>)
      %dma_wait3A = arith.constant 0 : i32
      %dma_wait3A_131 = arith.constant 0 : i32
      %dma_wait3A_132 = tpu.memref_slice %arg8[%run_scoped3A_19, %dma_wait3A, %dma_wait3A_131] : memref<2x128x128xf32, #tpu.memory_space<vmem>> -> memref<1x128x128xf32, #tpu.memory_space<vmem>>
      %dma_wait3A_133 = tpu.memref_squeeze %dma_wait3A_132 : memref<1x128x128xf32, #tpu.memory_space<vmem>> -> memref<128x128xf32, #tpu.memory_space<vmem>>
      %dma_wait3A_134 = arith.constant 0 : i32
      %dma_wait3A_135 = tpu.memref_slice %arg9[%add3A_18, %dma_wait3A_134] : memref<10240x128xf32, #tpu.memory_space<vmem_shared>> -> memref<128x128xf32, #tpu.memory_space<vmem_shared>>
      %dma_wait3A_136 = arith.constant 0 : i32
      %dma_wait3A_137 = tpu.memref_slice %arg9[%add3A_18, %dma_wait3A_136] : memref<10240x128xf32, #tpu.memory_space<vmem_shared>> -> memref<128x128xf32, #tpu.memory_space<vmem_shared>>
      %dma_wait3A_138 = arith.constant 0 : i32
      %dma_wait3A_139 = arith.constant 0 : i32
      %dma_wait3A_140 = tpu.memref_slice %arg8[%run_scoped3A_19, %dma_wait3A_138, %dma_wait3A_139] : memref<2x128x128xf32, #tpu.memory_space<vmem>> -> memref<1x128x128xf32, #tpu.memory_space<vmem>>
      %dma_wait3A_141 = tpu.memref_squeeze %dma_wait3A_140 : memref<1x128x128xf32, #tpu.memory_space<vmem>> -> memref<128x128xf32, #tpu.memory_space<vmem>>
      tpu.wait_dma2 semaphore(%run_scoped3A_118 : memref<!tpu.dma_semaphore, #tpu.memory_space<semaphore_mem>>) src(%dma_wait3A_141 : memref<128x128xf32, #tpu.memory_space<vmem>>) dst(%dma_wait3A_137 : memref<128x128xf32, #tpu.memory_space<vmem_shared>>)
      tpu.yield
    }) : () -> ()
    %mul3A_20 = arith.constant 640 : i32
    %mul3A_21 = arith.muli %arg1, %mul3A_20 : i32
    %add3A_22 = arith.constant 384 : i32
    %add3A_23 = arith.addi %mul3A_21, %add3A_22 : i32
    %run_scoped3A_24 = arith.constant 0 : i32
    "tpu.region"() ({
      %run_scoped3A_118 = tpu.sem_alloc : memref<!tpu.dma_semaphore, #tpu.memory_space<semaphore_mem>>
      %dma_start3A_119 = arith.constant 0 : i32
      %dma_start3A_120 = arith.constant 0 : i32
      %dma_start3A_121 = tpu.memref_slice %arg8[%run_scoped3A_24, %dma_start3A_119, %dma_start3A_120] : memref<2x128x128xf32, #tpu.memory_space<vmem>> -> memref<1x128x128xf32, #tpu.memory_space<vmem>>
      %dma_start3A_122 = tpu.memref_squeeze %dma_start3A_121 : memref<1x128x128xf32, #tpu.memory_space<vmem>> -> memref<128x128xf32, #tpu.memory_space<vmem>>
      %dma_start3A_123 = arith.constant 0 : i32
      %dma_start3A_124 = tpu.memref_slice %arg9[%add3A_23, %dma_start3A_123] : memref<10240x128xf32, #tpu.memory_space<vmem_shared>> -> memref<128x128xf32, #tpu.memory_space<vmem_shared>>
      %dma_start3A_125 = arith.constant 0 : i32
      %dma_start3A_126 = tpu.memref_slice %arg9[%add3A_23, %dma_start3A_125] : memref<10240x128xf32, #tpu.memory_space<vmem_shared>> -> memref<128x128xf32, #tpu.memory_space<vmem_shared>>
      %dma_start3A_127 = arith.constant 0 : i32
      %dma_start3A_128 = arith.constant 0 : i32
      %dma_start3A_129 = tpu.memref_slice %arg8[%run_scoped3A_24, %dma_start3A_127, %dma_start3A_128] : memref<2x128x128xf32, #tpu.memory_space<vmem>> -> memref<1x128x128xf32, #tpu.memory_space<vmem>>
      %dma_start3A_130 = tpu.memref_squeeze %dma_start3A_129 : memref<1x128x128xf32, #tpu.memory_space<vmem>> -> memref<128x128xf32, #tpu.memory_space<vmem>>
      tpu.enqueue_dma source(%dma_start3A_130 : memref<128x128xf32, #tpu.memory_space<vmem>>) target(%dma_start3A_126 : memref<128x128xf32, #tpu.memory_space<vmem_shared>>) target_semaphore(%run_scoped3A_118 : memref<!tpu.dma_semaphore, #tpu.memory_space<semaphore_mem>>)
      %dma_wait3A = arith.constant 0 : i32
      %dma_wait3A_131 = arith.constant 0 : i32
      %dma_wait3A_132 = tpu.memref_slice %arg8[%run_scoped3A_24, %dma_wait3A, %dma_wait3A_131] : memref<2x128x128xf32, #tpu.memory_space<vmem>> -> memref<1x128x128xf32, #tpu.memory_space<vmem>>
      %dma_wait3A_133 = tpu.memref_squeeze %dma_wait3A_132 : memref<1x128x128xf32, #tpu.memory_space<vmem>> -> memref<128x128xf32, #tpu.memory_space<vmem>>
      %dma_wait3A_134 = arith.constant 0 : i32
      %dma_wait3A_135 = tpu.memref_slice %arg9[%add3A_23, %dma_wait3A_134] : memref<10240x128xf32, #tpu.memory_space<vmem_shared>> -> memref<128x128xf32, #tpu.memory_space<vmem_shared>>
      %dma_wait3A_136 = arith.constant 0 : i32
      %dma_wait3A_137 = tpu.memref_slice %arg9[%add3A_23, %dma_wait3A_136] : memref<10240x128xf32, #tpu.memory_space<vmem_shared>> -> memref<128x128xf32, #tpu.memory_space<vmem_shared>>
      %dma_wait3A_138 = arith.constant 0 : i32
      %dma_wait3A_139 = arith.constant 0 : i32
      %dma_wait3A_140 = tpu.memref_slice %arg8[%run_scoped3A_24, %dma_wait3A_138, %dma_wait3A_139] : memref<2x128x128xf32, #tpu.memory_space<vmem>> -> memref<1x128x128xf32, #tpu.memory_space<vmem>>
      %dma_wait3A_141 = tpu.memref_squeeze %dma_wait3A_140 : memref<1x128x128xf32, #tpu.memory_space<vmem>> -> memref<128x128xf32, #tpu.memory_space<vmem>>
      tpu.wait_dma2 semaphore(%run_scoped3A_118 : memref<!tpu.dma_semaphore, #tpu.memory_space<semaphore_mem>>) src(%dma_wait3A_141 : memref<128x128xf32, #tpu.memory_space<vmem>>) dst(%dma_wait3A_137 : memref<128x128xf32, #tpu.memory_space<vmem_shared>>)
      tpu.yield
    }) : () -> ()
    %mul3A_25 = arith.constant 640 : i32
    %mul3A_26 = arith.muli %arg1, %mul3A_25 : i32
    %add3A_27 = arith.constant 512 : i32
    %add3A_28 = arith.addi %mul3A_26, %add3A_27 : i32
    %run_scoped3A_29 = arith.constant 0 : i32
    "tpu.region"() ({
      %run_scoped3A_118 = tpu.sem_alloc : memref<!tpu.dma_semaphore, #tpu.memory_space<semaphore_mem>>
      %dma_start3A_119 = arith.constant 0 : i32
      %dma_start3A_120 = arith.constant 0 : i32
      %dma_start3A_121 = tpu.memref_slice %arg8[%run_scoped3A_29, %dma_start3A_119, %dma_start3A_120] : memref<2x128x128xf32, #tpu.memory_space<vmem>> -> memref<1x128x128xf32, #tpu.memory_space<vmem>>
      %dma_start3A_122 = tpu.memref_squeeze %dma_start3A_121 : memref<1x128x128xf32, #tpu.memory_space<vmem>> -> memref<128x128xf32, #tpu.memory_space<vmem>>
      %dma_start3A_123 = arith.constant 0 : i32
      %dma_start3A_124 = tpu.memref_slice %arg9[%add3A_28, %dma_start3A_123] : memref<10240x128xf32, #tpu.memory_space<vmem_shared>> -> memref<128x128xf32, #tpu.memory_space<vmem_shared>>
      %dma_start3A_125 = arith.constant 0 : i32
      %dma_start3A_126 = tpu.memref_slice %arg9[%add3A_28, %dma_start3A_125] : memref<10240x128xf32, #tpu.memory_space<vmem_shared>> -> memref<128x128xf32, #tpu.memory_space<vmem_shared>>
      %dma_start3A_127 = arith.constant 0 : i32
      %dma_start3A_128 = arith.constant 0 : i32
      %dma_start3A_129 = tpu.memref_slice %arg8[%run_scoped3A_29, %dma_start3A_127, %dma_start3A_128] : memref<2x128x128xf32, #tpu.memory_space<vmem>> -> memref<1x128x128xf32, #tpu.memory_space<vmem>>
      %dma_start3A_130 = tpu.memref_squeeze %dma_start3A_129 : memref<1x128x128xf32, #tpu.memory_space<vmem>> -> memref<128x128xf32, #tpu.memory_space<vmem>>
      tpu.enqueue_dma source(%dma_start3A_130 : memref<128x128xf32, #tpu.memory_space<vmem>>) target(%dma_start3A_126 : memref<128x128xf32, #tpu.memory_space<vmem_shared>>) target_semaphore(%run_scoped3A_118 : memref<!tpu.dma_semaphore, #tpu.memory_space<semaphore_mem>>)
      %dma_wait3A = arith.constant 0 : i32
      %dma_wait3A_131 = arith.constant 0 : i32
      %dma_wait3A_132 = tpu.memref_slice %arg8[%run_scoped3A_29, %dma_wait3A, %dma_wait3A_131] : memref<2x128x128xf32, #tpu.memory_space<vmem>> -> memref<1x128x128xf32, #tpu.memory_space<vmem>>
      %dma_wait3A_133 = tpu.memref_squeeze %dma_wait3A_132 : memref<1x128x128xf32, #tpu.memory_space<vmem>> -> memref<128x128xf32, #tpu.memory_space<vmem>>
      %dma_wait3A_134 = arith.constant 0 : i32
      %dma_wait3A_135 = tpu.memref_slice %arg9[%add3A_28, %dma_wait3A_134] : memref<10240x128xf32, #tpu.memory_space<vmem_shared>> -> memref<128x128xf32, #tpu.memory_space<vmem_shared>>
      %dma_wait3A_136 = arith.constant 0 : i32
      %dma_wait3A_137 = tpu.memref_slice %arg9[%add3A_28, %dma_wait3A_136] : memref<10240x128xf32, #tpu.memory_space<vmem_shared>> -> memref<128x128xf32, #tpu.memory_space<vmem_shared>>
      %dma_wait3A_138 = arith.constant 0 : i32
      %dma_wait3A_139 = arith.constant 0 : i32
      %dma_wait3A_140 = tpu.memref_slice %arg8[%run_scoped3A_29, %dma_wait3A_138, %dma_wait3A_139] : memref<2x128x128xf32, #tpu.memory_space<vmem>> -> memref<1x128x128xf32, #tpu.memory_space<vmem>>
      %dma_wait3A_141 = tpu.memref_squeeze %dma_wait3A_140 : memref<1x128x128xf32, #tpu.memory_space<vmem>> -> memref<128x128xf32, #tpu.memory_space<vmem>>
      tpu.wait_dma2 semaphore(%run_scoped3A_118 : memref<!tpu.dma_semaphore, #tpu.memory_space<semaphore_mem>>) src(%dma_wait3A_141 : memref<128x128xf32, #tpu.memory_space<vmem>>) dst(%dma_wait3A_137 : memref<128x128xf32, #tpu.memory_space<vmem_shared>>)
      tpu.yield
    }) : () -> ()
    %barrier3A = arith.constant 0 : index
    tpu.barrier barrier_id(%barrier3A)
    %mul3A_30 = arith.constant 80 : i32
    %mul3A_31 = arith.muli %add3A, %mul3A_30 : i32
    %add3A_32 = arith.constant 0 : i32
    %add3A_33 = arith.addi %mul3A_31, %add3A_32 : i32
    "tpu.region"() ({
      %run_scoped3A_118 = tpu.sem_alloc : memref<!tpu.dma_semaphore, #tpu.memory_space<semaphore_mem>>
      %dma_start3A_119 = arith.constant 0 : i32
      %dma_start3A_120 = tpu.memref_slice %arg2[%add3A_33, %dma_start3A_119] : memref<2560x128xi32, #tpu.memory_space<hbm>> -> memref<40x128xi32, #tpu.memory_space<hbm>>
      %dma_start3A_121 = arith.constant 0 : i32
      %dma_start3A_122 = tpu.memref_slice %arg2[%add3A_33, %dma_start3A_121] : memref<2560x128xi32, #tpu.memory_space<hbm>> -> memref<40x128xi32, #tpu.memory_space<hbm>>
      tpu.enqueue_dma source(%dma_start3A_122 : memref<40x128xi32, #tpu.memory_space<hbm>>) target(%arg6 : memref<40x128xi32, #tpu.memory_space<vmem>>) target_semaphore(%run_scoped3A_118 : memref<!tpu.dma_semaphore, #tpu.memory_space<semaphore_mem>>)
      %dma_wait3A = arith.constant 0 : i32
      %dma_wait3A_123 = tpu.memref_slice %arg2[%add3A_33, %dma_wait3A] : memref<2560x128xi32, #tpu.memory_space<hbm>> -> memref<40x128xi32, #tpu.memory_space<hbm>>
      %dma_wait3A_124 = arith.constant 0 : i32
      %dma_wait3A_125 = tpu.memref_slice %arg2[%add3A_33, %dma_wait3A_124] : memref<2560x128xi32, #tpu.memory_space<hbm>> -> memref<40x128xi32, #tpu.memory_space<hbm>>
      tpu.wait_dma2 semaphore(%run_scoped3A_118 : memref<!tpu.dma_semaphore, #tpu.memory_space<semaphore_mem>>) src(%dma_wait3A_125 : memref<40x128xi32, #tpu.memory_space<hbm>>) dst(%arg6 : memref<40x128xi32, #tpu.memory_space<vmem>>)
      tpu.yield
    }) : () -> ()
    "tpu.region"() ({
      %run_scoped3A_118 = tpu.sem_alloc : memref<!tpu.dma_semaphore, #tpu.memory_space<semaphore_mem>>
      %dma_start3A_119 = arith.constant 0 : i32
      %dma_start3A_120 = tpu.memref_slice %arg3[%add3A_33, %dma_start3A_119] : memref<2560x128xi32, #tpu.memory_space<hbm>> -> memref<40x128xi32, #tpu.memory_space<hbm>>
      %dma_start3A_121 = arith.constant 0 : i32
      %dma_start3A_122 = tpu.memref_slice %arg3[%add3A_33, %dma_start3A_121] : memref<2560x128xi32, #tpu.memory_space<hbm>> -> memref<40x128xi32, #tpu.memory_space<hbm>>
      tpu.enqueue_dma source(%dma_start3A_122 : memref<40x128xi32, #tpu.memory_space<hbm>>) target(%arg7 : memref<40x128xi32, #tpu.memory_space<vmem>>) target_semaphore(%run_scoped3A_118 : memref<!tpu.dma_semaphore, #tpu.memory_space<semaphore_mem>>)
      %dma_wait3A = arith.constant 0 : i32
      %dma_wait3A_123 = tpu.memref_slice %arg3[%add3A_33, %dma_wait3A] : memref<2560x128xi32, #tpu.memory_space<hbm>> -> memref<40x128xi32, #tpu.memory_space<hbm>>
      %dma_wait3A_124 = arith.constant 0 : i32
      %dma_wait3A_125 = tpu.memref_slice %arg3[%add3A_33, %dma_wait3A_124] : memref<2560x128xi32, #tpu.memory_space<hbm>> -> memref<40x128xi32, #tpu.memory_space<hbm>>
      tpu.wait_dma2 semaphore(%run_scoped3A_118 : memref<!tpu.dma_semaphore, #tpu.memory_space<semaphore_mem>>) src(%dma_wait3A_125 : memref<40x128xi32, #tpu.memory_space<hbm>>) dst(%arg7 : memref<40x128xi32, #tpu.memory_space<vmem>>)
      tpu.yield
    }) : () -> ()
    %dma_start3A = arith.constant 0 : i32
    %dma_start3A_34 = arith.constant 0 : i32
    %dma_start3A_35 = arith.constant 0 : i32
    %dma_start3A_36 = arith.constant 0 : i32
    %dma_start3A_37 = tpu.memref_slice %arg8[%dma_start3A_34, %dma_start3A_35, %dma_start3A_36] : memref<2x128x128xf32, #tpu.memory_space<vmem>> -> memref<1x128x128xf32, #tpu.memory_space<vmem>>
    %dma_start3A_38 = tpu.memref_squeeze %dma_start3A_37 : memref<1x128x128xf32, #tpu.memory_space<vmem>> -> memref<128x128xf32, #tpu.memory_space<vmem>>
    %dma_start3A_39 = arith.constant 0 : i32
    %dma_start3A_40 = tpu.memref_slice %arg6[%dma_start3A, %dma_start3A_39] : memref<40x128xi32, #tpu.memory_space<vmem>> -> memref<1x128xi32, #tpu.memory_space<vmem>>
    %dma_start3A_41 = tpu.memref_squeeze %dma_start3A_40 : memref<1x128xi32, #tpu.memory_space<vmem>> -> memref<128xi32, #tpu.memory_space<vmem>>
    %dma_start3A_42 = arith.constant 0 : i32
    %dma_start3A_43 = arith.constant 0 : i32
    %dma_start3A_44 = tpu.memref_slice %arg4[%dma_start3A_42, %dma_start3A_43] : memref<10000x128xf32, #tpu.memory_space<hbm>> -> memref<10000x128xf32, #tpu.memory_space<hbm>>
    tpu.enqueue_indirect_dma source(%dma_start3A_44 : memref<10000x128xf32, #tpu.memory_space<hbm>>) target(%dma_start3A_38 : memref<128x128xf32, #tpu.memory_space<vmem>>) offsets(%dma_start3A_41 : memref<128xi32, #tpu.memory_space<vmem>>) semaphore(%arg10 : memref<!tpu.dma_semaphore, #tpu.memory_space<semaphore_mem>>)
    %dma_start3A_45 = arith.constant 1 : i32
    %dma_start3A_46 = arith.constant 1 : i32
    %dma_start3A_47 = arith.constant 0 : i32
    %dma_start3A_48 = arith.constant 0 : i32
    %dma_start3A_49 = tpu.memref_slice %arg8[%dma_start3A_46, %dma_start3A_47, %dma_start3A_48] : memref<2x128x128xf32, #tpu.memory_space<vmem>> -> memref<1x128x128xf32, #tpu.memory_space<vmem>>
    %dma_start3A_50 = tpu.memref_squeeze %dma_start3A_49 : memref<1x128x128xf32, #tpu.memory_space<vmem>> -> memref<128x128xf32, #tpu.memory_space<vmem>>
    %dma_start3A_51 = arith.constant 0 : i32
    %dma_start3A_52 = tpu.memref_slice %arg6[%dma_start3A_45, %dma_start3A_51] : memref<40x128xi32, #tpu.memory_space<vmem>> -> memref<1x128xi32, #tpu.memory_space<vmem>>
    %dma_start3A_53 = tpu.memref_squeeze %dma_start3A_52 : memref<1x128xi32, #tpu.memory_space<vmem>> -> memref<128xi32, #tpu.memory_space<vmem>>
    %dma_start3A_54 = arith.constant 0 : i32
    %dma_start3A_55 = arith.constant 0 : i32
    %dma_start3A_56 = tpu.memref_slice %arg4[%dma_start3A_54, %dma_start3A_55] : memref<10000x128xf32, #tpu.memory_space<hbm>> -> memref<10000x128xf32, #tpu.memory_space<hbm>>
    tpu.enqueue_indirect_dma source(%dma_start3A_56 : memref<10000x128xf32, #tpu.memory_space<hbm>>) target(%dma_start3A_50 : memref<128x128xf32, #tpu.memory_space<vmem>>) offsets(%dma_start3A_53 : memref<128xi32, #tpu.memory_space<vmem>>) semaphore(%arg11 : memref<!tpu.dma_semaphore, #tpu.memory_space<semaphore_mem>>)
    %scan3A_57 = arith.constant 0 : i32
    %scan3A_58 = arith.constant 0 : i32
    %scan3A_59 = arith.constant 20 : i32
    %scan3A_60 = arith.addi %scan3A_58, %scan3A_59 : i32
    %scan3A_61 = arith.constant 1 : i32
    scf.for %scan3A_118 = %scan3A_58 to %scan3A_60 step %scan3A_61  : i32 {
      %mul3A_119 = arith.constant 2 : i32
      %mul3A_120 = arith.muli %scan3A_118, %mul3A_119 : i32
      %add3A_121 = arith.constant 0 : i32
      %add3A_122 = arith.addi %mul3A_120, %add3A_121 : i32
      %dma_wait3A = arith.constant 0 : i32
      %dma_wait3A_123 = arith.constant 0 : i32
      %dma_wait3A_124 = arith.constant 0 : i32
      %dma_wait3A_125 = tpu.memref_slice %arg8[%dma_wait3A, %dma_wait3A_123, %dma_wait3A_124] : memref<2x128x128xf32, #tpu.memory_space<vmem>> -> memref<1x128x128xf32, #tpu.memory_space<vmem>>
      %dma_wait3A_126 = tpu.memref_squeeze %dma_wait3A_125 : memref<1x128x128xf32, #tpu.memory_space<vmem>> -> memref<128x128xf32, #tpu.memory_space<vmem>>
      %dma_wait3A_127 = arith.constant 0 : i32
      %dma_wait3A_128 = tpu.memref_slice %arg6[%add3A_122, %dma_wait3A_127] : memref<40x128xi32, #tpu.memory_space<vmem>> -> memref<1x128xi32, #tpu.memory_space<vmem>>
      %dma_wait3A_129 = tpu.memref_squeeze %dma_wait3A_128 : memref<1x128xi32, #tpu.memory_space<vmem>> -> memref<128xi32, #tpu.memory_space<vmem>>
      %dma_wait3A_130 = arith.constant 0 : i32
      %dma_wait3A_131 = arith.constant 0 : i32
      %dma_wait3A_132 = tpu.memref_slice %arg4[%dma_wait3A_130, %dma_wait3A_131] : memref<10000x128xf32, #tpu.memory_space<hbm>> -> memref<10000x128xf32, #tpu.memory_space<hbm>>
      tpu.wait_indirect_dma semaphore(%arg10 : memref<!tpu.dma_semaphore, #tpu.memory_space<semaphore_mem>>) src(%dma_wait3A_132 : memref<10000x128xf32, #tpu.memory_space<hbm>>) dst(%dma_wait3A_126 : memref<128x128xf32, #tpu.memory_space<vmem>>)
      %run_scoped3A_133 = arith.constant 0 : i32
      "tpu.region"() ({
        %run_scoped3A_159 = tpu.sem_alloc : memref<!tpu.dma_semaphore, #tpu.memory_space<semaphore_mem>>
        %dma_start3A_160 = arith.constant 0 : i32
        %dma_start3A_161 = arith.constant 0 : i32
        %dma_start3A_162 = tpu.memref_slice %arg8[%run_scoped3A_133, %dma_start3A_160, %dma_start3A_161] : memref<2x128x128xf32, #tpu.memory_space<vmem>> -> memref<1x128x128xf32, #tpu.memory_space<vmem>>
        %dma_start3A_163 = tpu.memref_squeeze %dma_start3A_162 : memref<1x128x128xf32, #tpu.memory_space<vmem>> -> memref<128x128xf32, #tpu.memory_space<vmem>>
        %dma_start3A_164 = arith.constant 0 : i32
        %dma_start3A_165 = tpu.memref_slice %arg7[%add3A_122, %dma_start3A_164] : memref<40x128xi32, #tpu.memory_space<vmem>> -> memref<1x128xi32, #tpu.memory_space<vmem>>
        %dma_start3A_166 = tpu.memref_squeeze %dma_start3A_165 : memref<1x128xi32, #tpu.memory_space<vmem>> -> memref<128xi32, #tpu.memory_space<vmem>>
        %dma_start3A_167 = arith.constant 0 : i32
        %dma_start3A_168 = arith.constant 0 : i32
        %dma_start3A_169 = tpu.memref_slice %arg9[%dma_start3A_167, %dma_start3A_168] : memref<10240x128xf32, #tpu.memory_space<vmem_shared>> -> memref<10240x128xf32, #tpu.memory_space<vmem_shared>>
        tpu.enqueue_indirect_dma source(%dma_start3A_163 : memref<128x128xf32, #tpu.memory_space<vmem>>) target(%dma_start3A_169 : memref<10240x128xf32, #tpu.memory_space<vmem_shared>>) offsets(%dma_start3A_166 : memref<128xi32, #tpu.memory_space<vmem>>) semaphore(%run_scoped3A_159 : memref<!tpu.dma_semaphore, #tpu.memory_space<semaphore_mem>>) {add = true}
        %dma_wait3A_170 = arith.constant 0 : i32
        %dma_wait3A_171 = arith.constant 0 : i32
        %dma_wait3A_172 = tpu.memref_slice %arg8[%run_scoped3A_133, %dma_wait3A_170, %dma_wait3A_171] : memref<2x128x128xf32, #tpu.memory_space<vmem>> -> memref<1x128x128xf32, #tpu.memory_space<vmem>>
        %dma_wait3A_173 = tpu.memref_squeeze %dma_wait3A_172 : memref<1x128x128xf32, #tpu.memory_space<vmem>> -> memref<128x128xf32, #tpu.memory_space<vmem>>
        %dma_wait3A_174 = arith.constant 0 : i32
        %dma_wait3A_175 = tpu.memref_slice %arg7[%add3A_122, %dma_wait3A_174] : memref<40x128xi32, #tpu.memory_space<vmem>> -> memref<1x128xi32, #tpu.memory_space<vmem>>
        %dma_wait3A_176 = tpu.memref_squeeze %dma_wait3A_175 : memref<1x128xi32, #tpu.memory_space<vmem>> -> memref<128xi32, #tpu.memory_space<vmem>>
        %dma_wait3A_177 = arith.constant 0 : i32
        %dma_wait3A_178 = arith.constant 0 : i32
        %dma_wait3A_179 = tpu.memref_slice %arg9[%dma_wait3A_177, %dma_wait3A_178] : memref<10240x128xf32, #tpu.memory_space<vmem_shared>> -> memref<10240x128xf32, #tpu.memory_space<vmem_shared>>
        tpu.wait_indirect_dma semaphore(%run_scoped3A_159 : memref<!tpu.dma_semaphore, #tpu.memory_space<semaphore_mem>>) src(%dma_wait3A_173 : memref<128x128xf32, #tpu.memory_space<vmem>>) dst(%dma_wait3A_179 : memref<10240x128xf32, #tpu.memory_space<vmem_shared>>)
        tpu.yield
      }) : () -> ()
      %add3A_134 = arith.constant 2 : i32
      %add3A_135 = arith.addi %add3A_122, %add3A_134 : i32
      %lt3A = arith.constant 40 : i32
      %lt3A_136 = arith.cmpi slt, %add3A_135, %lt3A : i32
      %convert_element_type3A = arith.extui %lt3A_136 : i1 to i32
      %cond3A = arith.constant 0 : i32
      %cond3A_137 = arith.cmpi ne, %convert_element_type3A, %cond3A : i32
      scf.if %cond3A_137 {
        %dma_start3A_159 = arith.constant 0 : i32
        %dma_start3A_160 = arith.constant 0 : i32
        %dma_start3A_161 = arith.constant 0 : i32
        %dma_start3A_162 = tpu.memref_slice %arg8[%dma_start3A_159, %dma_start3A_160, %dma_start3A_161] : memref<2x128x128xf32, #tpu.memory_space<vmem>> -> memref<1x128x128xf32, #tpu.memory_space<vmem>>
        %dma_start3A_163 = tpu.memref_squeeze %dma_start3A_162 : memref<1x128x128xf32, #tpu.memory_space<vmem>> -> memref<128x128xf32, #tpu.memory_space<vmem>>
        %dma_start3A_164 = arith.constant 0 : i32
        %dma_start3A_165 = tpu.memref_slice %arg6[%add3A_135, %dma_start3A_164] : memref<40x128xi32, #tpu.memory_space<vmem>> -> memref<1x128xi32, #tpu.memory_space<vmem>>
        %dma_start3A_166 = tpu.memref_squeeze %dma_start3A_165 : memref<1x128xi32, #tpu.memory_space<vmem>> -> memref<128xi32, #tpu.memory_space<vmem>>
        %dma_start3A_167 = arith.constant 0 : i32
        %dma_start3A_168 = arith.constant 0 : i32
        %dma_start3A_169 = tpu.memref_slice %arg4[%dma_start3A_167, %dma_start3A_168] : memref<10000x128xf32, #tpu.memory_space<hbm>> -> memref<10000x128xf32, #tpu.memory_space<hbm>>
        tpu.enqueue_indirect_dma source(%dma_start3A_169 : memref<10000x128xf32, #tpu.memory_space<hbm>>) target(%dma_start3A_163 : memref<128x128xf32, #tpu.memory_space<vmem>>) offsets(%dma_start3A_166 : memref<128xi32, #tpu.memory_space<vmem>>) semaphore(%arg10 : memref<!tpu.dma_semaphore, #tpu.memory_space<semaphore_mem>>)
      } else {
      }
      %add3A_138 = arith.constant 1 : i32
      %add3A_139 = arith.addi %mul3A_120, %add3A_138 : i32
      %dma_wait3A_140 = arith.constant 1 : i32
      %dma_wait3A_141 = arith.constant 0 : i32
      %dma_wait3A_142 = arith.constant 0 : i32
      %dma_wait3A_143 = tpu.memref_slice %arg8[%dma_wait3A_140, %dma_wait3A_141, %dma_wait3A_142] : memref<2x128x128xf32, #tpu.memory_space<vmem>> -> memref<1x128x128xf32, #tpu.memory_space<vmem>>
      %dma_wait3A_144 = tpu.memref_squeeze %dma_wait3A_143 : memref<1x128x128xf32, #tpu.memory_space<vmem>> -> memref<128x128xf32, #tpu.memory_space<vmem>>
      %dma_wait3A_145 = arith.constant 0 : i32
      %dma_wait3A_146 = tpu.memref_slice %arg6[%add3A_139, %dma_wait3A_145] : memref<40x128xi32, #tpu.memory_space<vmem>> -> memref<1x128xi32, #tpu.memory_space<vmem>>
      %dma_wait3A_147 = tpu.memref_squeeze %dma_wait3A_146 : memref<1x128xi32, #tpu.memory_space<vmem>> -> memref<128xi32, #tpu.memory_space<vmem>>
      %dma_wait3A_148 = arith.constant 0 : i32
      %dma_wait3A_149 = arith.constant 0 : i32
      %dma_wait3A_150 = tpu.memref_slice %arg4[%dma_wait3A_148, %dma_wait3A_149] : memref<10000x128xf32, #tpu.memory_space<hbm>> -> memref<10000x128xf32, #tpu.memory_space<hbm>>
      tpu.wait_indirect_dma semaphore(%arg11 : memref<!tpu.dma_semaphore, #tpu.memory_space<semaphore_mem>>) src(%dma_wait3A_150 : memref<10000x128xf32, #tpu.memory_space<hbm>>) dst(%dma_wait3A_144 : memref<128x128xf32, #tpu.memory_space<vmem>>)
      %run_scoped3A_151 = arith.constant 1 : i32
      "tpu.region"() ({
        %run_scoped3A_159 = tpu.sem_alloc : memref<!tpu.dma_semaphore, #tpu.memory_space<semaphore_mem>>
        %dma_start3A_160 = arith.constant 0 : i32
        %dma_start3A_161 = arith.constant 0 : i32
        %dma_start3A_162 = tpu.memref_slice %arg8[%run_scoped3A_151, %dma_start3A_160, %dma_start3A_161] : memref<2x128x128xf32, #tpu.memory_space<vmem>> -> memref<1x128x128xf32, #tpu.memory_space<vmem>>
        %dma_start3A_163 = tpu.memref_squeeze %dma_start3A_162 : memref<1x128x128xf32, #tpu.memory_space<vmem>> -> memref<128x128xf32, #tpu.memory_space<vmem>>
        %dma_start3A_164 = arith.constant 0 : i32
        %dma_start3A_165 = tpu.memref_slice %arg7[%add3A_139, %dma_start3A_164] : memref<40x128xi32, #tpu.memory_space<vmem>> -> memref<1x128xi32, #tpu.memory_space<vmem>>
        %dma_start3A_166 = tpu.memref_squeeze %dma_start3A_165 : memref<1x128xi32, #tpu.memory_space<vmem>> -> memref<128xi32, #tpu.memory_space<vmem>>
        %dma_start3A_167 = arith.constant 0 : i32
        %dma_start3A_168 = arith.constant 0 : i32
        %dma_start3A_169 = tpu.memref_slice %arg9[%dma_start3A_167, %dma_start3A_168] : memref<10240x128xf32, #tpu.memory_space<vmem_shared>> -> memref<10240x128xf32, #tpu.memory_space<vmem_shared>>
        tpu.enqueue_indirect_dma source(%dma_start3A_163 : memref<128x128xf32, #tpu.memory_space<vmem>>) target(%dma_start3A_169 : memref<10240x128xf32, #tpu.memory_space<vmem_shared>>) offsets(%dma_start3A_166 : memref<128xi32, #tpu.memory_space<vmem>>) semaphore(%run_scoped3A_159 : memref<!tpu.dma_semaphore, #tpu.memory_space<semaphore_mem>>) {add = true}
        %dma_wait3A_170 = arith.constant 0 : i32
        %dma_wait3A_171 = arith.constant 0 : i32
        %dma_wait3A_172 = tpu.memref_slice %arg8[%run_scoped3A_151, %dma_wait3A_170, %dma_wait3A_171] : memref<2x128x128xf32, #tpu.memory_space<vmem>> -> memref<1x128x128xf32, #tpu.memory_space<vmem>>
        %dma_wait3A_173 = tpu.memref_squeeze %dma_wait3A_172 : memref<1x128x128xf32, #tpu.memory_space<vmem>> -> memref<128x128xf32, #tpu.memory_space<vmem>>
        %dma_wait3A_174 = arith.constant 0 : i32
        %dma_wait3A_175 = tpu.memref_slice %arg7[%add3A_139, %dma_wait3A_174] : memref<40x128xi32, #tpu.memory_space<vmem>> -> memref<1x128xi32, #tpu.memory_space<vmem>>
        %dma_wait3A_176 = tpu.memref_squeeze %dma_wait3A_175 : memref<1x128xi32, #tpu.memory_space<vmem>> -> memref<128xi32, #tpu.memory_space<vmem>>
        %dma_wait3A_177 = arith.constant 0 : i32
        %dma_wait3A_178 = arith.constant 0 : i32
        %dma_wait3A_179 = tpu.memref_slice %arg9[%dma_wait3A_177, %dma_wait3A_178] : memref<10240x128xf32, #tpu.memory_space<vmem_shared>> -> memref<10240x128xf32, #tpu.memory_space<vmem_shared>>
        tpu.wait_indirect_dma semaphore(%run_scoped3A_159 : memref<!tpu.dma_semaphore, #tpu.memory_space<semaphore_mem>>) src(%dma_wait3A_173 : memref<128x128xf32, #tpu.memory_space<vmem>>) dst(%dma_wait3A_179 : memref<10240x128xf32, #tpu.memory_space<vmem_shared>>)
        tpu.yield
      }) : () -> ()
      %add3A_152 = arith.constant 2 : i32
      %add3A_153 = arith.addi %add3A_139, %add3A_152 : i32
      %lt3A_154 = arith.constant 40 : i32
      %lt3A_155 = arith.cmpi slt, %add3A_153, %lt3A_154 : i32
      %convert_element_type3A_156 = arith.extui %lt3A_155 : i1 to i32
      %cond3A_157 = arith.constant 0 : i32
      %cond3A_158 = arith.cmpi ne, %convert_element_type3A_156, %cond3A_157 : i32
      scf.if %cond3A_158 {
        %dma_start3A_159 = arith.constant 1 : i32
        %dma_start3A_160 = arith.constant 0 : i32
        %dma_start3A_161 = arith.constant 0 : i32
        %dma_start3A_162 = tpu.memref_slice %arg8[%dma_start3A_159, %dma_start3A_160, %dma_start3A_161] : memref<2x128x128xf32, #tpu.memory_space<vmem>> -> memref<1x128x128xf32, #tpu.memory_space<vmem>>
        %dma_start3A_163 = tpu.memref_squeeze %dma_start3A_162 : memref<1x128x128xf32, #tpu.memory_space<vmem>> -> memref<128x128xf32, #tpu.memory_space<vmem>>
        %dma_start3A_164 = arith.constant 0 : i32
        %dma_start3A_165 = tpu.memref_slice %arg6[%add3A_153, %dma_start3A_164] : memref<40x128xi32, #tpu.memory_space<vmem>> -> memref<1x128xi32, #tpu.memory_space<vmem>>
        %dma_start3A_166 = tpu.memref_squeeze %dma_start3A_165 : memref<1x128xi32, #tpu.memory_space<vmem>> -> memref<128xi32, #tpu.memory_space<vmem>>
        %dma_start3A_167 = arith.constant 0 : i32
        %dma_start3A_168 = arith.constant 0 : i32
        %dma_start3A_169 = tpu.memref_slice %arg4[%dma_start3A_167, %dma_start3A_168] : memref<10000x128xf32, #tpu.memory_space<hbm>> -> memref<10000x128xf32, #tpu.memory_space<hbm>>
        tpu.enqueue_indirect_dma source(%dma_start3A_169 : memref<10000x128xf32, #tpu.memory_space<hbm>>) target(%dma_start3A_163 : memref<128x128xf32, #tpu.memory_space<vmem>>) offsets(%dma_start3A_166 : memref<128xi32, #tpu.memory_space<vmem>>) semaphore(%arg11 : memref<!tpu.dma_semaphore, #tpu.memory_space<semaphore_mem>>)
      } else {
      }
    }
    %scan3A_62 = arith.constant 20 : i32
    %mul3A_63 = arith.constant 80 : i32
    %mul3A_64 = arith.muli %add3A, %mul3A_63 : i32
    %add3A_65 = arith.constant 40 : i32
    %add3A_66 = arith.addi %mul3A_64, %add3A_65 : i32
    "tpu.region"() ({
      %run_scoped3A_118 = tpu.sem_alloc : memref<!tpu.dma_semaphore, #tpu.memory_space<semaphore_mem>>
      %dma_start3A_119 = arith.constant 0 : i32
      %dma_start3A_120 = tpu.memref_slice %arg2[%add3A_66, %dma_start3A_119] : memref<2560x128xi32, #tpu.memory_space<hbm>> -> memref<40x128xi32, #tpu.memory_space<hbm>>
      %dma_start3A_121 = arith.constant 0 : i32
      %dma_start3A_122 = tpu.memref_slice %arg2[%add3A_66, %dma_start3A_121] : memref<2560x128xi32, #tpu.memory_space<hbm>> -> memref<40x128xi32, #tpu.memory_space<hbm>>
      tpu.enqueue_dma source(%dma_start3A_122 : memref<40x128xi32, #tpu.memory_space<hbm>>) target(%arg6 : memref<40x128xi32, #tpu.memory_space<vmem>>) target_semaphore(%run_scoped3A_118 : memref<!tpu.dma_semaphore, #tpu.memory_space<semaphore_mem>>)
      %dma_wait3A = arith.constant 0 : i32
      %dma_wait3A_123 = tpu.memref_slice %arg2[%add3A_66, %dma_wait3A] : memref<2560x128xi32, #tpu.memory_space<hbm>> -> memref<40x128xi32, #tpu.memory_space<hbm>>
      %dma_wait3A_124 = arith.constant 0 : i32
      %dma_wait3A_125 = tpu.memref_slice %arg2[%add3A_66, %dma_wait3A_124] : memref<2560x128xi32, #tpu.memory_space<hbm>> -> memref<40x128xi32, #tpu.memory_space<hbm>>
      tpu.wait_dma2 semaphore(%run_scoped3A_118 : memref<!tpu.dma_semaphore, #tpu.memory_space<semaphore_mem>>) src(%dma_wait3A_125 : memref<40x128xi32, #tpu.memory_space<hbm>>) dst(%arg6 : memref<40x128xi32, #tpu.memory_space<vmem>>)
      tpu.yield
    }) : () -> ()
    "tpu.region"() ({
      %run_scoped3A_118 = tpu.sem_alloc : memref<!tpu.dma_semaphore, #tpu.memory_space<semaphore_mem>>
      %dma_start3A_119 = arith.constant 0 : i32
      %dma_start3A_120 = tpu.memref_slice %arg3[%add3A_66, %dma_start3A_119] : memref<2560x128xi32, #tpu.memory_space<hbm>> -> memref<40x128xi32, #tpu.memory_space<hbm>>
      %dma_start3A_121 = arith.constant 0 : i32
      %dma_start3A_122 = tpu.memref_slice %arg3[%add3A_66, %dma_start3A_121] : memref<2560x128xi32, #tpu.memory_space<hbm>> -> memref<40x128xi32, #tpu.memory_space<hbm>>
      tpu.enqueue_dma source(%dma_start3A_122 : memref<40x128xi32, #tpu.memory_space<hbm>>) target(%arg7 : memref<40x128xi32, #tpu.memory_space<vmem>>) target_semaphore(%run_scoped3A_118 : memref<!tpu.dma_semaphore, #tpu.memory_space<semaphore_mem>>)
      %dma_wait3A = arith.constant 0 : i32
      %dma_wait3A_123 = tpu.memref_slice %arg3[%add3A_66, %dma_wait3A] : memref<2560x128xi32, #tpu.memory_space<hbm>> -> memref<40x128xi32, #tpu.memory_space<hbm>>
      %dma_wait3A_124 = arith.constant 0 : i32
      %dma_wait3A_125 = tpu.memref_slice %arg3[%add3A_66, %dma_wait3A_124] : memref<2560x128xi32, #tpu.memory_space<hbm>> -> memref<40x128xi32, #tpu.memory_space<hbm>>
      tpu.wait_dma2 semaphore(%run_scoped3A_118 : memref<!tpu.dma_semaphore, #tpu.memory_space<semaphore_mem>>) src(%dma_wait3A_125 : memref<40x128xi32, #tpu.memory_space<hbm>>) dst(%arg7 : memref<40x128xi32, #tpu.memory_space<vmem>>)
      tpu.yield
    }) : () -> ()
    %dma_start3A_67 = arith.constant 0 : i32
    %dma_start3A_68 = arith.constant 0 : i32
    %dma_start3A_69 = arith.constant 0 : i32
    %dma_start3A_70 = arith.constant 0 : i32
    %dma_start3A_71 = tpu.memref_slice %arg8[%dma_start3A_68, %dma_start3A_69, %dma_start3A_70] : memref<2x128x128xf32, #tpu.memory_space<vmem>> -> memref<1x128x128xf32, #tpu.memory_space<vmem>>
    %dma_start3A_72 = tpu.memref_squeeze %dma_start3A_71 : memref<1x128x128xf32, #tpu.memory_space<vmem>> -> memref<128x128xf32, #tpu.memory_space<vmem>>
    %dma_start3A_73 = arith.constant 0 : i32
    %dma_start3A_74 = tpu.memref_slice %arg6[%dma_start3A_67, %dma_start3A_73] : memref<40x128xi32, #tpu.memory_space<vmem>> -> memref<1x128xi32, #tpu.memory_space<vmem>>
    %dma_start3A_75 = tpu.memref_squeeze %dma_start3A_74 : memref<1x128xi32, #tpu.memory_space<vmem>> -> memref<128xi32, #tpu.memory_space<vmem>>
    %dma_start3A_76 = arith.constant 0 : i32
    %dma_start3A_77 = arith.constant 0 : i32
    %dma_start3A_78 = tpu.memref_slice %arg4[%dma_start3A_76, %dma_start3A_77] : memref<10000x128xf32, #tpu.memory_space<hbm>> -> memref<10000x128xf32, #tpu.memory_space<hbm>>
    tpu.enqueue_indirect_dma source(%dma_start3A_78 : memref<10000x128xf32, #tpu.memory_space<hbm>>) target(%dma_start3A_72 : memref<128x128xf32, #tpu.memory_space<vmem>>) offsets(%dma_start3A_75 : memref<128xi32, #tpu.memory_space<vmem>>) semaphore(%arg10 : memref<!tpu.dma_semaphore, #tpu.memory_space<semaphore_mem>>)
    %dma_start3A_79 = arith.constant 1 : i32
    %dma_start3A_80 = arith.constant 1 : i32
    %dma_start3A_81 = arith.constant 0 : i32
    %dma_start3A_82 = arith.constant 0 : i32
    %dma_start3A_83 = tpu.memref_slice %arg8[%dma_start3A_80, %dma_start3A_81, %dma_start3A_82] : memref<2x128x128xf32, #tpu.memory_space<vmem>> -> memref<1x128x128xf32, #tpu.memory_space<vmem>>
    %dma_start3A_84 = tpu.memref_squeeze %dma_start3A_83 : memref<1x128x128xf32, #tpu.memory_space<vmem>> -> memref<128x128xf32, #tpu.memory_space<vmem>>
    %dma_start3A_85 = arith.constant 0 : i32
    %dma_start3A_86 = tpu.memref_slice %arg6[%dma_start3A_79, %dma_start3A_85] : memref<40x128xi32, #tpu.memory_space<vmem>> -> memref<1x128xi32, #tpu.memory_space<vmem>>
    %dma_start3A_87 = tpu.memref_squeeze %dma_start3A_86 : memref<1x128xi32, #tpu.memory_space<vmem>> -> memref<128xi32, #tpu.memory_space<vmem>>
    %dma_start3A_88 = arith.constant 0 : i32
    %dma_start3A_89 = arith.constant 0 : i32
    %dma_start3A_90 = tpu.memref_slice %arg4[%dma_start3A_88, %dma_start3A_89] : memref<10000x128xf32, #tpu.memory_space<hbm>> -> memref<10000x128xf32, #tpu.memory_space<hbm>>
    tpu.enqueue_indirect_dma source(%dma_start3A_90 : memref<10000x128xf32, #tpu.memory_space<hbm>>) target(%dma_start3A_84 : memref<128x128xf32, #tpu.memory_space<vmem>>) offsets(%dma_start3A_87 : memref<128xi32, #tpu.memory_space<vmem>>) semaphore(%arg11 : memref<!tpu.dma_semaphore, #tpu.memory_space<semaphore_mem>>)
    %scan3A_91 = arith.constant 0 : i32
    %scan3A_92 = arith.constant 0 : i32
    %scan3A_93 = arith.constant 20 : i32
    %scan3A_94 = arith.addi %scan3A_92, %scan3A_93 : i32
    %scan3A_95 = arith.constant 1 : i32
    scf.for %scan3A_118 = %scan3A_92 to %scan3A_94 step %scan3A_95  : i32 {
      %mul3A_119 = arith.constant 2 : i32
      %mul3A_120 = arith.muli %scan3A_118, %mul3A_119 : i32
      %add3A_121 = arith.constant 0 : i32
      %add3A_122 = arith.addi %mul3A_120, %add3A_121 : i32
      %dma_wait3A = arith.constant 0 : i32
      %dma_wait3A_123 = arith.constant 0 : i32
      %dma_wait3A_124 = arith.constant 0 : i32
      %dma_wait3A_125 = tpu.memref_slice %arg8[%dma_wait3A, %dma_wait3A_123, %dma_wait3A_124] : memref<2x128x128xf32, #tpu.memory_space<vmem>> -> memref<1x128x128xf32, #tpu.memory_space<vmem>>
      %dma_wait3A_126 = tpu.memref_squeeze %dma_wait3A_125 : memref<1x128x128xf32, #tpu.memory_space<vmem>> -> memref<128x128xf32, #tpu.memory_space<vmem>>
      %dma_wait3A_127 = arith.constant 0 : i32
      %dma_wait3A_128 = tpu.memref_slice %arg6[%add3A_122, %dma_wait3A_127] : memref<40x128xi32, #tpu.memory_space<vmem>> -> memref<1x128xi32, #tpu.memory_space<vmem>>
      %dma_wait3A_129 = tpu.memref_squeeze %dma_wait3A_128 : memref<1x128xi32, #tpu.memory_space<vmem>> -> memref<128xi32, #tpu.memory_space<vmem>>
      %dma_wait3A_130 = arith.constant 0 : i32
      %dma_wait3A_131 = arith.constant 0 : i32
      %dma_wait3A_132 = tpu.memref_slice %arg4[%dma_wait3A_130, %dma_wait3A_131] : memref<10000x128xf32, #tpu.memory_space<hbm>> -> memref<10000x128xf32, #tpu.memory_space<hbm>>
      tpu.wait_indirect_dma semaphore(%arg10 : memref<!tpu.dma_semaphore, #tpu.memory_space<semaphore_mem>>) src(%dma_wait3A_132 : memref<10000x128xf32, #tpu.memory_space<hbm>>) dst(%dma_wait3A_126 : memref<128x128xf32, #tpu.memory_space<vmem>>)
      %run_scoped3A_133 = arith.constant 0 : i32
      "tpu.region"() ({
        %run_scoped3A_159 = tpu.sem_alloc : memref<!tpu.dma_semaphore, #tpu.memory_space<semaphore_mem>>
        %dma_start3A_160 = arith.constant 0 : i32
        %dma_start3A_161 = arith.constant 0 : i32
        %dma_start3A_162 = tpu.memref_slice %arg8[%run_scoped3A_133, %dma_start3A_160, %dma_start3A_161] : memref<2x128x128xf32, #tpu.memory_space<vmem>> -> memref<1x128x128xf32, #tpu.memory_space<vmem>>
        %dma_start3A_163 = tpu.memref_squeeze %dma_start3A_162 : memref<1x128x128xf32, #tpu.memory_space<vmem>> -> memref<128x128xf32, #tpu.memory_space<vmem>>
        %dma_start3A_164 = arith.constant 0 : i32
        %dma_start3A_165 = tpu.memref_slice %arg7[%add3A_122, %dma_start3A_164] : memref<40x128xi32, #tpu.memory_space<vmem>> -> memref<1x128xi32, #tpu.memory_space<vmem>>
        %dma_start3A_166 = tpu.memref_squeeze %dma_start3A_165 : memref<1x128xi32, #tpu.memory_space<vmem>> -> memref<128xi32, #tpu.memory_space<vmem>>
        %dma_start3A_167 = arith.constant 0 : i32
        %dma_start3A_168 = arith.constant 0 : i32
        %dma_start3A_169 = tpu.memref_slice %arg9[%dma_start3A_167, %dma_start3A_168] : memref<10240x128xf32, #tpu.memory_space<vmem_shared>> -> memref<10240x128xf32, #tpu.memory_space<vmem_shared>>
        tpu.enqueue_indirect_dma source(%dma_start3A_163 : memref<128x128xf32, #tpu.memory_space<vmem>>) target(%dma_start3A_169 : memref<10240x128xf32, #tpu.memory_space<vmem_shared>>) offsets(%dma_start3A_166 : memref<128xi32, #tpu.memory_space<vmem>>) semaphore(%run_scoped3A_159 : memref<!tpu.dma_semaphore, #tpu.memory_space<semaphore_mem>>) {add = true}
        %dma_wait3A_170 = arith.constant 0 : i32
        %dma_wait3A_171 = arith.constant 0 : i32
        %dma_wait3A_172 = tpu.memref_slice %arg8[%run_scoped3A_133, %dma_wait3A_170, %dma_wait3A_171] : memref<2x128x128xf32, #tpu.memory_space<vmem>> -> memref<1x128x128xf32, #tpu.memory_space<vmem>>
        %dma_wait3A_173 = tpu.memref_squeeze %dma_wait3A_172 : memref<1x128x128xf32, #tpu.memory_space<vmem>> -> memref<128x128xf32, #tpu.memory_space<vmem>>
        %dma_wait3A_174 = arith.constant 0 : i32
        %dma_wait3A_175 = tpu.memref_slice %arg7[%add3A_122, %dma_wait3A_174] : memref<40x128xi32, #tpu.memory_space<vmem>> -> memref<1x128xi32, #tpu.memory_space<vmem>>
        %dma_wait3A_176 = tpu.memref_squeeze %dma_wait3A_175 : memref<1x128xi32, #tpu.memory_space<vmem>> -> memref<128xi32, #tpu.memory_space<vmem>>
        %dma_wait3A_177 = arith.constant 0 : i32
        %dma_wait3A_178 = arith.constant 0 : i32
        %dma_wait3A_179 = tpu.memref_slice %arg9[%dma_wait3A_177, %dma_wait3A_178] : memref<10240x128xf32, #tpu.memory_space<vmem_shared>> -> memref<10240x128xf32, #tpu.memory_space<vmem_shared>>
        tpu.wait_indirect_dma semaphore(%run_scoped3A_159 : memref<!tpu.dma_semaphore, #tpu.memory_space<semaphore_mem>>) src(%dma_wait3A_173 : memref<128x128xf32, #tpu.memory_space<vmem>>) dst(%dma_wait3A_179 : memref<10240x128xf32, #tpu.memory_space<vmem_shared>>)
        tpu.yield
      }) : () -> ()
      %add3A_134 = arith.constant 2 : i32
      %add3A_135 = arith.addi %add3A_122, %add3A_134 : i32
      %lt3A = arith.constant 40 : i32
      %lt3A_136 = arith.cmpi slt, %add3A_135, %lt3A : i32
      %convert_element_type3A = arith.extui %lt3A_136 : i1 to i32
      %cond3A = arith.constant 0 : i32
      %cond3A_137 = arith.cmpi ne, %convert_element_type3A, %cond3A : i32
      scf.if %cond3A_137 {
        %dma_start3A_159 = arith.constant 0 : i32
        %dma_start3A_160 = arith.constant 0 : i32
        %dma_start3A_161 = arith.constant 0 : i32
        %dma_start3A_162 = tpu.memref_slice %arg8[%dma_start3A_159, %dma_start3A_160, %dma_start3A_161] : memref<2x128x128xf32, #tpu.memory_space<vmem>> -> memref<1x128x128xf32, #tpu.memory_space<vmem>>
        %dma_start3A_163 = tpu.memref_squeeze %dma_start3A_162 : memref<1x128x128xf32, #tpu.memory_space<vmem>> -> memref<128x128xf32, #tpu.memory_space<vmem>>
        %dma_start3A_164 = arith.constant 0 : i32
        %dma_start3A_165 = tpu.memref_slice %arg6[%add3A_135, %dma_start3A_164] : memref<40x128xi32, #tpu.memory_space<vmem>> -> memref<1x128xi32, #tpu.memory_space<vmem>>
        %dma_start3A_166 = tpu.memref_squeeze %dma_start3A_165 : memref<1x128xi32, #tpu.memory_space<vmem>> -> memref<128xi32, #tpu.memory_space<vmem>>
        %dma_start3A_167 = arith.constant 0 : i32
        %dma_start3A_168 = arith.constant 0 : i32
        %dma_start3A_169 = tpu.memref_slice %arg4[%dma_start3A_167, %dma_start3A_168] : memref<10000x128xf32, #tpu.memory_space<hbm>> -> memref<10000x128xf32, #tpu.memory_space<hbm>>
        tpu.enqueue_indirect_dma source(%dma_start3A_169 : memref<10000x128xf32, #tpu.memory_space<hbm>>) target(%dma_start3A_163 : memref<128x128xf32, #tpu.memory_space<vmem>>) offsets(%dma_start3A_166 : memref<128xi32, #tpu.memory_space<vmem>>) semaphore(%arg10 : memref<!tpu.dma_semaphore, #tpu.memory_space<semaphore_mem>>)
      } else {
      }
      %add3A_138 = arith.constant 1 : i32
      %add3A_139 = arith.addi %mul3A_120, %add3A_138 : i32
      %dma_wait3A_140 = arith.constant 1 : i32
      %dma_wait3A_141 = arith.constant 0 : i32
      %dma_wait3A_142 = arith.constant 0 : i32
      %dma_wait3A_143 = tpu.memref_slice %arg8[%dma_wait3A_140, %dma_wait3A_141, %dma_wait3A_142] : memref<2x128x128xf32, #tpu.memory_space<vmem>> -> memref<1x128x128xf32, #tpu.memory_space<vmem>>
      %dma_wait3A_144 = tpu.memref_squeeze %dma_wait3A_143 : memref<1x128x128xf32, #tpu.memory_space<vmem>> -> memref<128x128xf32, #tpu.memory_space<vmem>>
      %dma_wait3A_145 = arith.constant 0 : i32
      %dma_wait3A_146 = tpu.memref_slice %arg6[%add3A_139, %dma_wait3A_145] : memref<40x128xi32, #tpu.memory_space<vmem>> -> memref<1x128xi32, #tpu.memory_space<vmem>>
      %dma_wait3A_147 = tpu.memref_squeeze %dma_wait3A_146 : memref<1x128xi32, #tpu.memory_space<vmem>> -> memref<128xi32, #tpu.memory_space<vmem>>
      %dma_wait3A_148 = arith.constant 0 : i32
      %dma_wait3A_149 = arith.constant 0 : i32
      %dma_wait3A_150 = tpu.memref_slice %arg4[%dma_wait3A_148, %dma_wait3A_149] : memref<10000x128xf32, #tpu.memory_space<hbm>> -> memref<10000x128xf32, #tpu.memory_space<hbm>>
      tpu.wait_indirect_dma semaphore(%arg11 : memref<!tpu.dma_semaphore, #tpu.memory_space<semaphore_mem>>) src(%dma_wait3A_150 : memref<10000x128xf32, #tpu.memory_space<hbm>>) dst(%dma_wait3A_144 : memref<128x128xf32, #tpu.memory_space<vmem>>)
      %run_scoped3A_151 = arith.constant 1 : i32
      "tpu.region"() ({
        %run_scoped3A_159 = tpu.sem_alloc : memref<!tpu.dma_semaphore, #tpu.memory_space<semaphore_mem>>
        %dma_start3A_160 = arith.constant 0 : i32
        %dma_start3A_161 = arith.constant 0 : i32
        %dma_start3A_162 = tpu.memref_slice %arg8[%run_scoped3A_151, %dma_start3A_160, %dma_start3A_161] : memref<2x128x128xf32, #tpu.memory_space<vmem>> -> memref<1x128x128xf32, #tpu.memory_space<vmem>>
        %dma_start3A_163 = tpu.memref_squeeze %dma_start3A_162 : memref<1x128x128xf32, #tpu.memory_space<vmem>> -> memref<128x128xf32, #tpu.memory_space<vmem>>
        %dma_start3A_164 = arith.constant 0 : i32
        %dma_start3A_165 = tpu.memref_slice %arg7[%add3A_139, %dma_start3A_164] : memref<40x128xi32, #tpu.memory_space<vmem>> -> memref<1x128xi32, #tpu.memory_space<vmem>>
        %dma_start3A_166 = tpu.memref_squeeze %dma_start3A_165 : memref<1x128xi32, #tpu.memory_space<vmem>> -> memref<128xi32, #tpu.memory_space<vmem>>
        %dma_start3A_167 = arith.constant 0 : i32
        %dma_start3A_168 = arith.constant 0 : i32
        %dma_start3A_169 = tpu.memref_slice %arg9[%dma_start3A_167, %dma_start3A_168] : memref<10240x128xf32, #tpu.memory_space<vmem_shared>> -> memref<10240x128xf32, #tpu.memory_space<vmem_shared>>
        tpu.enqueue_indirect_dma source(%dma_start3A_163 : memref<128x128xf32, #tpu.memory_space<vmem>>) target(%dma_start3A_169 : memref<10240x128xf32, #tpu.memory_space<vmem_shared>>) offsets(%dma_start3A_166 : memref<128xi32, #tpu.memory_space<vmem>>) semaphore(%run_scoped3A_159 : memref<!tpu.dma_semaphore, #tpu.memory_space<semaphore_mem>>) {add = true}
        %dma_wait3A_170 = arith.constant 0 : i32
        %dma_wait3A_171 = arith.constant 0 : i32
        %dma_wait3A_172 = tpu.memref_slice %arg8[%run_scoped3A_151, %dma_wait3A_170, %dma_wait3A_171] : memref<2x128x128xf32, #tpu.memory_space<vmem>> -> memref<1x128x128xf32, #tpu.memory_space<vmem>>
        %dma_wait3A_173 = tpu.memref_squeeze %dma_wait3A_172 : memref<1x128x128xf32, #tpu.memory_space<vmem>> -> memref<128x128xf32, #tpu.memory_space<vmem>>
        %dma_wait3A_174 = arith.constant 0 : i32
        %dma_wait3A_175 = tpu.memref_slice %arg7[%add3A_139, %dma_wait3A_174] : memref<40x128xi32, #tpu.memory_space<vmem>> -> memref<1x128xi32, #tpu.memory_space<vmem>>
        %dma_wait3A_176 = tpu.memref_squeeze %dma_wait3A_175 : memref<1x128xi32, #tpu.memory_space<vmem>> -> memref<128xi32, #tpu.memory_space<vmem>>
        %dma_wait3A_177 = arith.constant 0 : i32
        %dma_wait3A_178 = arith.constant 0 : i32
        %dma_wait3A_179 = tpu.memref_slice %arg9[%dma_wait3A_177, %dma_wait3A_178] : memref<10240x128xf32, #tpu.memory_space<vmem_shared>> -> memref<10240x128xf32, #tpu.memory_space<vmem_shared>>
        tpu.wait_indirect_dma semaphore(%run_scoped3A_159 : memref<!tpu.dma_semaphore, #tpu.memory_space<semaphore_mem>>) src(%dma_wait3A_173 : memref<128x128xf32, #tpu.memory_space<vmem>>) dst(%dma_wait3A_179 : memref<10240x128xf32, #tpu.memory_space<vmem_shared>>)
        tpu.yield
      }) : () -> ()
      %add3A_152 = arith.constant 2 : i32
      %add3A_153 = arith.addi %add3A_139, %add3A_152 : i32
      %lt3A_154 = arith.constant 40 : i32
      %lt3A_155 = arith.cmpi slt, %add3A_153, %lt3A_154 : i32
      %convert_element_type3A_156 = arith.extui %lt3A_155 : i1 to i32
      %cond3A_157 = arith.constant 0 : i32
      %cond3A_158 = arith.cmpi ne, %convert_element_type3A_156, %cond3A_157 : i32
      scf.if %cond3A_158 {
        %dma_start3A_159 = arith.constant 1 : i32
        %dma_start3A_160 = arith.constant 0 : i32
        %dma_start3A_161 = arith.constant 0 : i32
        %dma_start3A_162 = tpu.memref_slice %arg8[%dma_start3A_159, %dma_start3A_160, %dma_start3A_161] : memref<2x128x128xf32, #tpu.memory_space<vmem>> -> memref<1x128x128xf32, #tpu.memory_space<vmem>>
        %dma_start3A_163 = tpu.memref_squeeze %dma_start3A_162 : memref<1x128x128xf32, #tpu.memory_space<vmem>> -> memref<128x128xf32, #tpu.memory_space<vmem>>
        %dma_start3A_164 = arith.constant 0 : i32
        %dma_start3A_165 = tpu.memref_slice %arg6[%add3A_153, %dma_start3A_164] : memref<40x128xi32, #tpu.memory_space<vmem>> -> memref<1x128xi32, #tpu.memory_space<vmem>>
        %dma_start3A_166 = tpu.memref_squeeze %dma_start3A_165 : memref<1x128xi32, #tpu.memory_space<vmem>> -> memref<128xi32, #tpu.memory_space<vmem>>
        %dma_start3A_167 = arith.constant 0 : i32
        %dma_start3A_168 = arith.constant 0 : i32
        %dma_start3A_169 = tpu.memref_slice %arg4[%dma_start3A_167, %dma_start3A_168] : memref<10000x128xf32, #tpu.memory_space<hbm>> -> memref<10000x128xf32, #tpu.memory_space<hbm>>
        tpu.enqueue_indirect_dma source(%dma_start3A_169 : memref<10000x128xf32, #tpu.memory_space<hbm>>) target(%dma_start3A_163 : memref<128x128xf32, #tpu.memory_space<vmem>>) offsets(%dma_start3A_166 : memref<128xi32, #tpu.memory_space<vmem>>) semaphore(%arg11 : memref<!tpu.dma_semaphore, #tpu.memory_space<semaphore_mem>>)
      } else {
      }
    }
    %scan3A_96 = arith.constant 20 : i32
    %barrier3A_97 = arith.constant 0 : index
    tpu.barrier barrier_id(%barrier3A_97)
    %mul3A_98 = arith.constant 640 : i32
    %mul3A_99 = arith.muli %arg1, %mul3A_98 : i32
    %add3A_100 = arith.constant 0 : i32
    %add3A_101 = arith.addi %mul3A_99, %add3A_100 : i32
    "tpu.region"() ({
      %run_scoped3A_118 = tpu.sem_alloc : memref<!tpu.dma_semaphore, #tpu.memory_space<semaphore_mem>>
      %dma_start3A_119 = arith.constant 0 : i32
      %dma_start3A_120 = tpu.memref_slice %arg5[%arg0, %add3A_101, %dma_start3A_119] : memref<2x10240x128xf32, #tpu.memory_space<hbm>> -> memref<1x128x128xf32, #tpu.memory_space<hbm>>
      %dma_start3A_121 = tpu.memref_squeeze %dma_start3A_120 : memref<1x128x128xf32, #tpu.memory_space<hbm>> -> memref<128x128xf32, #tpu.memory_space<hbm>>
      %dma_start3A_122 = arith.constant 0 : i32
      %dma_start3A_123 = tpu.memref_slice %arg9[%add3A_101, %dma_start3A_122] : memref<10240x128xf32, #tpu.memory_space<vmem_shared>> -> memref<128x128xf32, #tpu.memory_space<vmem_shared>>
      tpu.enqueue_dma source(%dma_start3A_123 : memref<128x128xf32, #tpu.memory_space<vmem_shared>>) target(%dma_start3A_121 : memref<128x128xf32, #tpu.memory_space<hbm>>) target_semaphore(%run_scoped3A_118 : memref<!tpu.dma_semaphore, #tpu.memory_space<semaphore_mem>>)
      %dma_wait3A = arith.constant 0 : i32
      %dma_wait3A_124 = tpu.memref_slice %arg5[%arg0, %add3A_101, %dma_wait3A] : memref<2x10240x128xf32, #tpu.memory_space<hbm>> -> memref<1x128x128xf32, #tpu.memory_space<hbm>>
      %dma_wait3A_125 = tpu.memref_squeeze %dma_wait3A_124 : memref<1x128x128xf32, #tpu.memory_space<hbm>> -> memref<128x128xf32, #tpu.memory_space<hbm>>
      %dma_wait3A_126 = arith.constant 0 : i32
      %dma_wait3A_127 = tpu.memref_slice %arg9[%add3A_101, %dma_wait3A_126] : memref<10240x128xf32, #tpu.memory_space<vmem_shared>> -> memref<128x128xf32, #tpu.memory_space<vmem_shared>>
      tpu.wait_dma2 semaphore(%run_scoped3A_118 : memref<!tpu.dma_semaphore, #tpu.memory_space<semaphore_mem>>) src(%dma_wait3A_127 : memref<128x128xf32, #tpu.memory_space<vmem_shared>>) dst(%dma_wait3A_125 : memref<128x128xf32, #tpu.memory_space<hbm>>)
      tpu.yield
    }) : () -> ()
    %mul3A_102 = arith.constant 640 : i32
    %mul3A_103 = arith.muli %arg1, %mul3A_102 : i32
    %add3A_104 = arith.constant 128 : i32
    %add3A_105 = arith.addi %mul3A_103, %add3A_104 : i32
    "tpu.region"() ({
      %run_scoped3A_118 = tpu.sem_alloc : memref<!tpu.dma_semaphore, #tpu.memory_space<semaphore_mem>>
      %dma_start3A_119 = arith.constant 0 : i32
      %dma_start3A_120 = tpu.memref_slice %arg5[%arg0, %add3A_105, %dma_start3A_119] : memref<2x10240x128xf32, #tpu.memory_space<hbm>> -> memref<1x128x128xf32, #tpu.memory_space<hbm>>
      %dma_start3A_121 = tpu.memref_squeeze %dma_start3A_120 : memref<1x128x128xf32, #tpu.memory_space<hbm>> -> memref<128x128xf32, #tpu.memory_space<hbm>>
      %dma_start3A_122 = arith.constant 0 : i32
      %dma_start3A_123 = tpu.memref_slice %arg9[%add3A_105, %dma_start3A_122] : memref<10240x128xf32, #tpu.memory_space<vmem_shared>> -> memref<128x128xf32, #tpu.memory_space<vmem_shared>>
      tpu.enqueue_dma source(%dma_start3A_123 : memref<128x128xf32, #tpu.memory_space<vmem_shared>>) target(%dma_start3A_121 : memref<128x128xf32, #tpu.memory_space<hbm>>) target_semaphore(%run_scoped3A_118 : memref<!tpu.dma_semaphore, #tpu.memory_space<semaphore_mem>>)
      %dma_wait3A = arith.constant 0 : i32
      %dma_wait3A_124 = tpu.memref_slice %arg5[%arg0, %add3A_105, %dma_wait3A] : memref<2x10240x128xf32, #tpu.memory_space<hbm>> -> memref<1x128x128xf32, #tpu.memory_space<hbm>>
      %dma_wait3A_125 = tpu.memref_squeeze %dma_wait3A_124 : memref<1x128x128xf32, #tpu.memory_space<hbm>> -> memref<128x128xf32, #tpu.memory_space<hbm>>
      %dma_wait3A_126 = arith.constant 0 : i32
      %dma_wait3A_127 = tpu.memref_slice %arg9[%add3A_105, %dma_wait3A_126] : memref<10240x128xf32, #tpu.memory_space<vmem_shared>> -> memref<128x128xf32, #tpu.memory_space<vmem_shared>>
      tpu.wait_dma2 semaphore(%run_scoped3A_118 : memref<!tpu.dma_semaphore, #tpu.memory_space<semaphore_mem>>) src(%dma_wait3A_127 : memref<128x128xf32, #tpu.memory_space<vmem_shared>>) dst(%dma_wait3A_125 : memref<128x128xf32, #tpu.memory_space<hbm>>)
      tpu.yield
    }) : () -> ()
    %mul3A_106 = arith.constant 640 : i32
    %mul3A_107 = arith.muli %arg1, %mul3A_106 : i32
    %add3A_108 = arith.constant 256 : i32
    %add3A_109 = arith.addi %mul3A_107, %add3A_108 : i32
    "tpu.region"() ({
      %run_scoped3A_118 = tpu.sem_alloc : memref<!tpu.dma_semaphore, #tpu.memory_space<semaphore_mem>>
      %dma_start3A_119 = arith.constant 0 : i32
      %dma_start3A_120 = tpu.memref_slice %arg5[%arg0, %add3A_109, %dma_start3A_119] : memref<2x10240x128xf32, #tpu.memory_space<hbm>> -> memref<1x128x128xf32, #tpu.memory_space<hbm>>
      %dma_start3A_121 = tpu.memref_squeeze %dma_start3A_120 : memref<1x128x128xf32, #tpu.memory_space<hbm>> -> memref<128x128xf32, #tpu.memory_space<hbm>>
      %dma_start3A_122 = arith.constant 0 : i32
      %dma_start3A_123 = tpu.memref_slice %arg9[%add3A_109, %dma_start3A_122] : memref<10240x128xf32, #tpu.memory_space<vmem_shared>> -> memref<128x128xf32, #tpu.memory_space<vmem_shared>>
      tpu.enqueue_dma source(%dma_start3A_123 : memref<128x128xf32, #tpu.memory_space<vmem_shared>>) target(%dma_start3A_121 : memref<128x128xf32, #tpu.memory_space<hbm>>) target_semaphore(%run_scoped3A_118 : memref<!tpu.dma_semaphore, #tpu.memory_space<semaphore_mem>>)
      %dma_wait3A = arith.constant 0 : i32
      %dma_wait3A_124 = tpu.memref_slice %arg5[%arg0, %add3A_109, %dma_wait3A] : memref<2x10240x128xf32, #tpu.memory_space<hbm>> -> memref<1x128x128xf32, #tpu.memory_space<hbm>>
      %dma_wait3A_125 = tpu.memref_squeeze %dma_wait3A_124 : memref<1x128x128xf32, #tpu.memory_space<hbm>> -> memref<128x128xf32, #tpu.memory_space<hbm>>
      %dma_wait3A_126 = arith.constant 0 : i32
      %dma_wait3A_127 = tpu.memref_slice %arg9[%add3A_109, %dma_wait3A_126] : memref<10240x128xf32, #tpu.memory_space<vmem_shared>> -> memref<128x128xf32, #tpu.memory_space<vmem_shared>>
      tpu.wait_dma2 semaphore(%run_scoped3A_118 : memref<!tpu.dma_semaphore, #tpu.memory_space<semaphore_mem>>) src(%dma_wait3A_127 : memref<128x128xf32, #tpu.memory_space<vmem_shared>>) dst(%dma_wait3A_125 : memref<128x128xf32, #tpu.memory_space<hbm>>)
      tpu.yield
    }) : () -> ()
    %mul3A_110 = arith.constant 640 : i32
    %mul3A_111 = arith.muli %arg1, %mul3A_110 : i32
    %add3A_112 = arith.constant 384 : i32
    %add3A_113 = arith.addi %mul3A_111, %add3A_112 : i32
    "tpu.region"() ({
      %run_scoped3A_118 = tpu.sem_alloc : memref<!tpu.dma_semaphore, #tpu.memory_space<semaphore_mem>>
      %dma_start3A_119 = arith.constant 0 : i32
      %dma_start3A_120 = tpu.memref_slice %arg5[%arg0, %add3A_113, %dma_start3A_119] : memref<2x10240x128xf32, #tpu.memory_space<hbm>> -> memref<1x128x128xf32, #tpu.memory_space<hbm>>
      %dma_start3A_121 = tpu.memref_squeeze %dma_start3A_120 : memref<1x128x128xf32, #tpu.memory_space<hbm>> -> memref<128x128xf32, #tpu.memory_space<hbm>>
      %dma_start3A_122 = arith.constant 0 : i32
      %dma_start3A_123 = tpu.memref_slice %arg9[%add3A_113, %dma_start3A_122] : memref<10240x128xf32, #tpu.memory_space<vmem_shared>> -> memref<128x128xf32, #tpu.memory_space<vmem_shared>>
      tpu.enqueue_dma source(%dma_start3A_123 : memref<128x128xf32, #tpu.memory_space<vmem_shared>>) target(%dma_start3A_121 : memref<128x128xf32, #tpu.memory_space<hbm>>) target_semaphore(%run_scoped3A_118 : memref<!tpu.dma_semaphore, #tpu.memory_space<semaphore_mem>>)
      %dma_wait3A = arith.constant 0 : i32
      %dma_wait3A_124 = tpu.memref_slice %arg5[%arg0, %add3A_113, %dma_wait3A] : memref<2x10240x128xf32, #tpu.memory_space<hbm>> -> memref<1x128x128xf32, #tpu.memory_space<hbm>>
      %dma_wait3A_125 = tpu.memref_squeeze %dma_wait3A_124 : memref<1x128x128xf32, #tpu.memory_space<hbm>> -> memref<128x128xf32, #tpu.memory_space<hbm>>
      %dma_wait3A_126 = arith.constant 0 : i32
      %dma_wait3A_127 = tpu.memref_slice %arg9[%add3A_113, %dma_wait3A_126] : memref<10240x128xf32, #tpu.memory_space<vmem_shared>> -> memref<128x128xf32, #tpu.memory_space<vmem_shared>>
      tpu.wait_dma2 semaphore(%run_scoped3A_118 : memref<!tpu.dma_semaphore, #tpu.memory_space<semaphore_mem>>) src(%dma_wait3A_127 : memref<128x128xf32, #tpu.memory_space<vmem_shared>>) dst(%dma_wait3A_125 : memref<128x128xf32, #tpu.memory_space<hbm>>)
      tpu.yield
    }) : () -> ()
    %mul3A_114 = arith.constant 640 : i32
    %mul3A_115 = arith.muli %arg1, %mul3A_114 : i32
    %add3A_116 = arith.constant 512 : i32
    %add3A_117 = arith.addi %mul3A_115, %add3A_116 : i32
    "tpu.region"() ({
      %run_scoped3A_118 = tpu.sem_alloc : memref<!tpu.dma_semaphore, #tpu.memory_space<semaphore_mem>>
      %dma_start3A_119 = arith.constant 0 : i32
      %dma_start3A_120 = tpu.memref_slice %arg5[%arg0, %add3A_117, %dma_start3A_119] : memref<2x10240x128xf32, #tpu.memory_space<hbm>> -> memref<1x128x128xf32, #tpu.memory_space<hbm>>
      %dma_start3A_121 = tpu.memref_squeeze %dma_start3A_120 : memref<1x128x128xf32, #tpu.memory_space<hbm>> -> memref<128x128xf32, #tpu.memory_space<hbm>>
      %dma_start3A_122 = arith.constant 0 : i32
      %dma_start3A_123 = tpu.memref_slice %arg9[%add3A_117, %dma_start3A_122] : memref<10240x128xf32, #tpu.memory_space<vmem_shared>> -> memref<128x128xf32, #tpu.memory_space<vmem_shared>>
      tpu.enqueue_dma source(%dma_start3A_123 : memref<128x128xf32, #tpu.memory_space<vmem_shared>>) target(%dma_start3A_121 : memref<128x128xf32, #tpu.memory_space<hbm>>) target_semaphore(%run_scoped3A_118 : memref<!tpu.dma_semaphore, #tpu.memory_space<semaphore_mem>>)
      %dma_wait3A = arith.constant 0 : i32
      %dma_wait3A_124 = tpu.memref_slice %arg5[%arg0, %add3A_117, %dma_wait3A] : memref<2x10240x128xf32, #tpu.memory_space<hbm>> -> memref<1x128x128xf32, #tpu.memory_space<hbm>>
      %dma_wait3A_125 = tpu.memref_squeeze %dma_wait3A_124 : memref<1x128x128xf32, #tpu.memory_space<hbm>> -> memref<128x128xf32, #tpu.memory_space<hbm>>
      %dma_wait3A_126 = arith.constant 0 : i32
      %dma_wait3A_127 = tpu.memref_slice %arg9[%add3A_117, %dma_wait3A_126] : memref<10240x128xf32, #tpu.memory_space<vmem_shared>> -> memref<128x128xf32, #tpu.memory_space<vmem_shared>>
      tpu.wait_dma2 semaphore(%run_scoped3A_118 : memref<!tpu.dma_semaphore, #tpu.memory_space<semaphore_mem>>) src(%dma_wait3A_127 : memref<128x128xf32, #tpu.memory_space<vmem_shared>>) dst(%dma_wait3A_125 : memref<128x128xf32, #tpu.memory_space<hbm>>)
      tpu.yield
    }) : () -> ()
    return
  }
}

module attributes {stable_mosaic.version = 14 : i64} {
  func.func @_tc_body(%arg0: i32, %arg1: memref<1x1000x128xf32, #tpu.memory_space<vmem>>, %arg2: memref<1x1000x128xf32, #tpu.memory_space<vmem>>, %arg3: memref<1000x128xf32, #tpu.memory_space<vmem>>, %arg4: memref<128x128xf32, #tpu.memory_space<vmem>>, %arg5: memref<128x128xf32, #tpu.memory_space<vmem>>, %arg6: memref<1x128xf32, #tpu.memory_space<vmem>>, %arg7: memref<1x128xf32, #tpu.memory_space<vmem>>, %arg8: memref<1x128xf32, #tpu.memory_space<vmem>>, %arg9: memref<1000x128xf32, #tpu.memory_space<vmem>>) attributes {dimension_semantics = [#tpu.dimension_semantics<arbitrary>], iteration_bounds = array<i64: 10>, scalar_prefetch = 0 : i64, scratch_operands = 0 : i64, tpu.core_type = #tpu.core_type<tc>, window_params = [{transform_indices = @transform_0, window_bounds = array<i64: 1, 1000, 128>}, {transform_indices = @transform_1, window_bounds = array<i64: 1, 1000, 128>}, {transform_indices = @transform_2, window_bounds = array<i64: 1000, 128>}, {pipeline_mode = #tpu.pipeline_mode<synchronous>, transform_indices = @transform_3, window_bounds = array<i64: 128, 128>}, {pipeline_mode = #tpu.pipeline_mode<synchronous>, transform_indices = @transform_4, window_bounds = array<i64: 128, 128>}, {pipeline_mode = #tpu.pipeline_mode<synchronous>, transform_indices = @transform_5, window_bounds = array<i64: 1, 128>}, {pipeline_mode = #tpu.pipeline_mode<synchronous>, transform_indices = @transform_6, window_bounds = array<i64: 1, 128>}, {pipeline_mode = #tpu.pipeline_mode<synchronous>, transform_indices = @transform_7, window_bounds = array<i64: 1, 128>}, {transform_indices = @transform_8, window_bounds = array<i64: 1000, 128>}]} {
    %get3A = arith.constant 0 : index
    %get3A_0 = arith.constant 0 : index
    %get3A_1 = arith.constant 0 : index
    %get3A_2 = vector.load %arg1[%get3A, %get3A_0, %get3A_1] : memref<1x1000x128xf32, #tpu.memory_space<vmem>>, vector<1x1000x128xf32>
    %get3A_3 = vector.shape_cast %get3A_2 : vector<1x1000x128xf32> to vector<1000x128xf32>
    %get3A_4 = arith.constant 0 : index
    %get3A_5 = arith.constant 0 : index
    %get3A_6 = arith.constant 0 : index
    %get3A_7 = vector.load %arg2[%get3A_4, %get3A_5, %get3A_6] : memref<1x1000x128xf32, #tpu.memory_space<vmem>>, vector<1x1000x128xf32>
    %get3A_8 = vector.shape_cast %get3A_7 : vector<1x1000x128xf32> to vector<1000x128xf32>
    %add3A = arith.addf %get3A_3, %get3A_8 : vector<1000x128xf32>
    %get3A_9 = arith.constant 0 : index
    %get3A_10 = arith.constant 0 : index
    %get3A_11 = vector.load %arg4[%get3A_9, %get3A_10] : memref<128x128xf32, #tpu.memory_space<vmem>>, vector<128x128xf32>
    %dot_general3A = arith.constant dense<0.000000e+00> : vector<1000x128xf32>
    %dot_general3A_12 = tpu.matmul %add3A, %get3A_11, %dot_general3A {dimension_numbers = #tpu.dot_dimension_numbers<[1], [1], [0], [0], [0, 0, 1, 0], [], []>, transpose_lhs_hint = false} : vector<1000x128xf32>, vector<128x128xf32>, vector<1000x128xf32> -> vector<1000x128xf32>
    %get3A_13 = arith.constant 0 : index
    %get3A_14 = arith.constant 0 : index
    %get3A_15 = vector.load %arg3[%get3A_13, %get3A_14] : memref<1000x128xf32, #tpu.memory_space<vmem>>, vector<1000x128xf32>
    %get3A_16 = arith.constant 0 : index
    %get3A_17 = arith.constant 0 : index
    %get3A_18 = vector.load %arg5[%get3A_16, %get3A_17] : memref<128x128xf32, #tpu.memory_space<vmem>>, vector<128x128xf32>
    %dot_general3A_19 = arith.constant dense<0.000000e+00> : vector<1000x128xf32>
    %dot_general3A_20 = tpu.matmul %get3A_15, %get3A_18, %dot_general3A_19 {dimension_numbers = #tpu.dot_dimension_numbers<[1], [1], [0], [0], [0, 0, 1, 0], [], []>, transpose_lhs_hint = false} : vector<1000x128xf32>, vector<128x128xf32>, vector<1000x128xf32> -> vector<1000x128xf32>
    %add3A_21 = arith.addf %dot_general3A_12, %dot_general3A_20 : vector<1000x128xf32>
    %get3A_22 = arith.constant 0 : index
    %get3A_23 = arith.constant 0 : index
    %get3A_24 = vector.load %arg6[%get3A_22, %get3A_23] : memref<1x128xf32, #tpu.memory_space<vmem>>, vector<1x128xf32>
    %get3A_25 = arith.constant 0 : index
    %get3A_26 = arith.constant 0 : index
    %get3A_27 = vector.load %arg7[%get3A_25, %get3A_26] : memref<1x128xf32, #tpu.memory_space<vmem>>, vector<1x128xf32>
    %add3A_28 = arith.addf %get3A_24, %get3A_27 : vector<1x128xf32>
    %get3A_29 = arith.constant 0 : index
    %get3A_30 = arith.constant 0 : index
    %get3A_31 = vector.load %arg8[%get3A_29, %get3A_30] : memref<1x128xf32, #tpu.memory_space<vmem>>, vector<1x128xf32>
    %add3A_32 = arith.addf %add3A_28, %get3A_31 : vector<1x128xf32>
    %add3A_33 = vector.broadcast %add3A_32 : vector<1x128xf32> to vector<1000x128xf32>
    %add3A_34 = arith.addf %add3A_21, %add3A_33 : vector<1000x128xf32>
    %swap3A = arith.constant 0 : index
    %swap3A_35 = arith.constant 0 : index
    %swap3A_36 = vector.load %arg9[%swap3A, %swap3A_35] : memref<1000x128xf32, #tpu.memory_space<vmem>>, vector<1000x128xf32>
    tpu.vector_store %arg9[%swap3A, %swap3A_35], %add3A_34 {strides = array<i32>} : memref<1000x128xf32, #tpu.memory_space<vmem>>, vector<1000x128xf32>,
    return
  }
  func.func @transform_0(%arg0: i32) -> (i32, i32, i32) {
    %c0_i32 = arith.constant 0 : i32
    %c0_i32_0 = arith.constant 0 : i32
    %c0_i32_1 = arith.constant 0 : i32
    return %c0_i32, %arg0, %c0_i32_0 : i32, i32, i32
  }
  func.func @transform_1(%arg0: i32) -> (i32, i32, i32) {
    %c1_i32 = arith.constant 1 : i32
    %c0_i32 = arith.constant 0 : i32
    %c0_i32_0 = arith.constant 0 : i32
    return %c1_i32, %arg0, %c0_i32 : i32, i32, i32
  }
  func.func @transform_2(%arg0: i32) -> (i32, i32) {
    %c0_i32 = arith.constant 0 : i32
    %c0_i32_0 = arith.constant 0 : i32
    return %arg0, %c0_i32 : i32, i32
  }
  func.func @transform_3(%arg0: i32) -> (i32, i32) {
    %c0_i32 = arith.constant 0 : i32
    %c0_i32_0 = arith.constant 0 : i32
    %c0_i32_1 = arith.constant 0 : i32
    return %c0_i32, %c0_i32_0 : i32, i32
  }
  func.func @transform_4(%arg0: i32) -> (i32, i32) {
    %c0_i32 = arith.constant 0 : i32
    %c0_i32_0 = arith.constant 0 : i32
    %c0_i32_1 = arith.constant 0 : i32
    return %c0_i32, %c0_i32_0 : i32, i32
  }
  func.func @transform_5(%arg0: i32) -> (i32, i32) {
    %c0_i32 = arith.constant 0 : i32
    %c0_i32_0 = arith.constant 0 : i32
    %c0_i32_1 = arith.constant 0 : i32
    return %c0_i32, %c0_i32_0 : i32, i32
  }
  func.func @transform_6(%arg0: i32) -> (i32, i32) {
    %c0_i32 = arith.constant 0 : i32
    %c0_i32_0 = arith.constant 0 : i32
    %c0_i32_1 = arith.constant 0 : i32
    return %c0_i32, %c0_i32_0 : i32, i32
  }
  func.func @transform_7(%arg0: i32) -> (i32, i32) {
    %c0_i32 = arith.constant 0 : i32
    %c0_i32_0 = arith.constant 0 : i32
    %c0_i32_1 = arith.constant 0 : i32
    return %c0_i32, %c0_i32_0 : i32, i32
  }
  func.func @transform_8(%arg0: i32) -> (i32, i32) {
    %c0_i32 = arith.constant 0 : i32
    %c0_i32_0 = arith.constant 0 : i32
    return %arg0, %c0_i32 : i32, i32
  }
}

</mosaic_0001>

<sc_bundles>
// kernel: kernel.4.cloned.1.call-start
scs
__scs_entry_jumppad:
0x0: {  	(pc) =	sbr.rel $0x88, $3  }
0x1: {  	(tag) =	ssettag $0x0;
	lr =	simm.s32 $0x1  }
0x2: {  	[smem:$0x3F9A] =	sst lr;
	_ =	strace $0xD0000000  }
0x3: {  	_ = 	snop  }
0x4: {  	_ = 	snop  }
0x5: {  	_ = 	snop  }
0x6: {  	_ = 	snop  }
0x7: {  	_ = 	snop  }
__scs_overlays_trampoline_lowered:
0x8: {  	[smem:$0x3FA9] =	sst s0  }
0x9: {  	[smem:$0x3FAA] =	sst s1  }
0xa: {  	[smem:$0x3FAB] =	sst s2  }
0xb: {  	[smem:$0x3FAC] =	sst s3  }
0xc: {  	[smem:$0x3FAD] =	sst s4  }
0xd: {  	[smem:$0x3FAE] =	sst s5  }
0xe: {  	[smem:$0x3FAF] =	sst s6  }
0xf: {  	[smem:$0x3FB0] =	sst s7  }
0x10: {  	[smem:$0x3FB1] =	sst s8  }
0x11: {  	[smem:$0x3FB2] =	sst s9;
	s0 =	simm.s32 @!p0 $0x0  }
0x12: {  	s1 =	sld [smem:$0x3F98];
	s0 =	simm.s32 @p0 $0x1  }
0x13: {  	[smem:$0x3FB3] =	sst s0;
	s0 =	simm.s32 @!p1 $0x0  }
0x14: {  	s2 =	sld [smem:$0x3F97];
	s0 =	simm.s32 @p1 $0x1  }
0x15: {  	[smem:$0x3FB4] =	sst s0;
	s0 =	simm.s32 @!p2 $0x0  }
0x16: {  	s3 =	sld [smem:$0x3FDB];
	s0 =	simm.s32 @p2 $0x1  }
0x17: {  	s4 =	simm.s32 $0x1BF5;
	[smem:$0x3FB6] =	sst s0  }
0x18: {  	s0 =	sld [smem:$0x3F99];
	_ =	swait.ge [sflag:s4], $0x0  }
0x19: {  	s7 =	sld [smem:$0x3F9A]  }
0x1a: {  	s8 =	sadd.s32 $0xFFFFE003, lr  }
0x1b: {  	s9 =	sadd.s32 $0xFFFFFEF7, lr;
	s5 =	simm.s32 $0xFFFFFFFF;
	p2 =	slt.u32 s8, $0xFFFFF086  }
0x1c: {  	p1 =	slt.u32 s9, $0xF7A;
	s5 =	simm.s32 @!p2 $0x0  }
0x1d: {  	s5 =	simm.s32 @p1 $0x1;
	p0 =	seq.s32 s7, s2  }
0x1e: {  	s7 =	smul.u32 @!p0 $0xF7A, s2;
	p2 =	seq.s32 @!p0 s5, $0x0  }
0x1f: {  	s9 =	smul.u32 $0xF7A, s1;
	s8 =	simm.s32 @!p0 $0x1BF5;
	p2 =	por !p2, p0  }
0x20: {  	[sflag:s8] =	ssyncset.s32 @!p0 $0xFFFFF086;
	s6 =	sadd.s32 @!p0 s3, s7;
	s7 =	simm.s32 @!p0 $0x108  }
0x21: {  	s3 =	sadd.s32 s3, s9;
	s6 =	sadd.s32 @!p0 $0x88, s6;
	s7 =	simm.s32 @p2 $0x1082  }
0x22: {  	[simem:s7], [sflag:s8] =	dma.local @!p0 [hbm:s6], $0xF7A  }
0x23: {  	s9 =	sor.u32 $0xD0000000, s2;
	s6 =	simm.s32 $0x108;
	_ =	swait.ge @!p0 [sflag:s8], $0x0  }
0x24: {  	s3 =	sadd.s32 $0x88, s3;
	s6 =	simm.s32 @!p1 $0x1082;
	[sflag:s4] =	ssyncset.s32 $0xFFFFF086  }
0x25: {  	[simem:s6], [sflag:s4] =	dma.local [hbm:s3], $0xF7A  }
0x26: {  	[smem:$0x3F9A] =	sst s1;
	(tag) =	ssettag s2;
	_ =	strace s9  }
0x27: {  	s1 =	sld [smem:$0x3FAA]  }
0x28: {  	s2 =	sld [smem:$0x3FAB]  }
0x29: {  	s4 =	sld [smem:$0x3FAD]  }
0x2a: {  	p0 =	seq.s32 s5, $0x0;
	s5 =	sld [smem:$0x3FAE]  }
0x2b: {  	s6 =	sld [smem:$0x3FAF]  }
0x2c: {  	s7 =	sld [smem:$0x3FB0]  }
0x2d: {  	s3 =	simm.s32 $0x108;
	s8 =	sld [smem:$0x3FB1]  }
0x2e: {  	s3 =	simm.s32 @!p0 $0x1082;
	s9 =	sld [smem:$0x3FB2]  }
0x2f: {  	lr =	sadd.s32 s0, s3;
	s0 =	sld [smem:$0x3FA9]  }
0x30: {  	s3 =	sld [smem:$0x3FAC]  }
0x31: {  	[smem:$0x3FB5] =	sst s10  }
0x32: {  	s10 =	sld [smem:$0x3FB3];
	_ =	sdelay $0x3  }
0x33: {  	p0 =	seq.s32 s10, $0x1;
	s10 =	sld [smem:$0x3FB5];
	_ =	sdelay $0x3  }
0x34: {  	[smem:$0x3FB5] =	sst s10  }
0x35: {  	s10 =	sld [smem:$0x3FB4];
	_ =	sdelay $0x3  }
0x36: {  	p1 =	seq.s32 s10, $0x1;
	s10 =	sld [smem:$0x3FB5];
	_ =	sdelay $0x3  }
0x37: {  	[smem:$0x3FB5] =	sst s10  }
0x38: {  	s10 =	sld [smem:$0x3FB6]  }
0x39: {  	_ = 	snop;
	(pc) =	sbr.ind lr, $3  }
0x3a: {  	_ = 	snop  }
0x3b: {  	_ = 	snop  }
0x3c: {  	p2 =	seq.s32 s10, $0x1;
	s10 =	sld [smem:$0x3FB5]  }
0x3d: {  	_ =	shalt  }
0x3e: {  	_ =	shalt  }
0x3f: {  	_ =	shalt  }
0x40: {  	_ =	shalt  }
0x41: {  	_ =	shalt  }
0x42: {  	_ =	shalt  }
0x43: {  	_ =	shalt  }
0x44: {  	_ =	shalt  }
0x45: {  	_ =	shalt  }
0x46: {  	_ =	shalt  }
0x47: {  	_ =	shalt  }
0x48: {  	_ =	shalt  }
0x49: {  	_ =	shalt  }
0x4a: {  	_ =	shalt  }
0x4b: {  	_ =	shalt  }
0x4c: {  	_ =	shalt  }
0x4d: {  	_ =	shalt  }
0x4e: {  	_ =	shalt  }
0x4f: {  	_ =	shalt  }
0x50: {  	_ =	shalt  }
0x51: {  	_ =	shalt  }
0x52: {  	_ =	shalt  }
0x53: {  	_ =	shalt  }
0x54: {  	_ =	shalt  }
0x55: {  	_ =	shalt  }
0x56: {  	_ =	shalt  }
0x57: {  	_ =	shalt  }
0x58: {  	_ =	shalt  }
0x59: {  	_ =	shalt  }
0x5a: {  	_ =	shalt  }
0x5b: {  	_ =	shalt  }
0x5c: {  	_ =	shalt  }
0x5d: {  	_ =	shalt  }
0x5e: {  	_ =	shalt  }
0x5f: {  	_ =	shalt  }
0x60: {  	_ =	shalt  }
0x61: {  	_ =	shalt  }
0x62: {  	_ =	shalt  }
0x63: {  	_ =	shalt  }
0x64: {  	_ =	shalt  }
0x65: {  	_ =	shalt  }
0x66: {  	_ =	shalt  }
0x67: {  	_ =	shalt  }
0x68: {  	_ =	shalt  }
0x69: {  	_ =	shalt  }
0x6a: {  	_ =	shalt  }
0x6b: {  	_ =	shalt  }
0x6c: {  	_ =	shalt  }
0x6d: {  	_ =	shalt  }
0x6e: {  	_ =	shalt  }
0x6f: {  	_ =	shalt  }
0x70: {  	_ =	shalt  }
0x71: {  	_ =	shalt  }
0x72: {  	_ =	shalt  }
0x73: {  	_ =	shalt  }
0x74: {  	_ =	shalt  }
0x75: {  	_ =	shalt  }
0x76: {  	_ =	shalt  }
0x77: {  	_ =	shalt  }
0x78: {  	_ =	shalt  }
0x79: {  	_ =	shalt  }
0x7a: {  	_ =	shalt  }
0x7b: {  	_ =	shalt  }
0x7c: {  	_ =	shalt  }
0x7d: {  	_ =	shalt  }
0x7e: {  	_ =	shalt  }
0x7f: {  	_ =	shalt  }
0x80: {  	_ =	shalt  }
0x81: {  	_ =	shalt  }
0x82: {  	_ =	shalt  }
0x83: {  	_ =	shalt  }
0x84: {  	_ =	shalt  }
0x85: {  	_ =	shalt  }
0x86: {  	_ =	shalt  }
0x87: {  	_ =	shalt  }
.Lfunc_end0:
.L_simem_size_0:
called_computation_lowered:
.L_overlay_start_0:
0x88: {  	s2 =	sld [smem:$0x3FD9]  }
0x89: {  	s3 =	sld [smem:$0x3FFE];
	_ =	sdelay $0x1  }
0x8a: {  	s1 =	srdreg.scid  }
0x8b: {  	s0 =	sand.u32 $0x1, s1  }
0x8c: {  	s17 =	sshll.u32 s0, $0xA;
	s2 =	sadd.s32 s3, s2  }
0x8d: {  	s2 =	sadd.s32 s2, s17  }
0x8e: {  	[smem:$0x3FC1] =	sst s2  }
0x8f: {  	_ = 	snop  }
0x90: {  	s2 =	sld [smem:$0x3FC9]  }
0x91: {  	s18 =	sld [smem:$0x3FD0];
	(tm) =	ssettm $0x1  }
0x92: {  	s4 =	sld [smem:$0x3FFB];
	_ =	sdelay $0x3  }
0x93: {  	_ =	strace s4  }
0x94: {  	s4 =	sld [smem:$0x3FFC];
	_ =	sdelay $0x3  }
0x95: {  	_ =	strace s4  }
0x96: {  	s4 =	sld [smem:$0x3FFD];
	_ =	sdelay $0x3  }
0x97: {  	_ =	strace s4  }
0x98: {  	_ =	strace $0x8FFFFFFF  }
0x99: {  	s19 =	sld [smem:$0x3FDB];
	_ =	sdelay $0x1  }
0x9a: {  	s5 =	simm.s32 $_scs_section_size  }
0x9b: {  	s6 =	simm.s32 $_size__tile_overlayer_lowered;
	s7 =	simm.s32 $_tile_overlayer_lowered  }
0x9c: {  	s22 =	simm.s32 $0x1BFF;
	s21 =	sshll.u32 s7, $0x1;
	s4 =	sadd.s32 s5, s19  }
0x9d: {  	s8 =	simm.s32 $0x0;
	s20 =	sshll.u32 s6, $0x1;
	s6 =	sadd.s32 s21, s4  }
0x9e: {  	[timem:s8], [sflag:s22] =	dma.local [hbm:s6], s20  }
0x9f: {  	_ =	swait.ge [sflag:s22], s20  }
0xa0: {  	s5 =	ssub.s32 $0x0, s20;
	[sflag:s22] =	ssyncset.done $0x0  }
0xa1: {  	[sflag:s22] =	ssyncadd.s32 s5;
	_ =	sdelay $0x1  }
0xa2: {  	s23 =	simm.s32 $0x1B8B  }
0xa3: {  	_ =	swait.ge [sflag:s23], $0x1  }
0xa4: {  	[sflag:s23] =	ssyncset.done $0x0  }
0xa5: {  	s25 =	simm.s32 $0x1B8E;
	s24 =	sld [smem:$0x3FFE];
	[sflag:s23] =	ssyncadd.s32 $0xFFFFFFFF  }
0xa6: {  	s26 =	simm.s32 $execute0_lowered;
	[smem:$0x3FD2] =	sst s25  }
0xa7: {  	s6 =	sshll.u32 s26, $0x1;
	_ =	strace $0x80000046;
	[dreg:$0x1] =	wrdreg $0xFFFFFFFF  }
0xa8: {  	s28 =	simm.s32 $_size_execute0_lowered;
	s4 =	sadd.s32 s4, s6;
	[dreg:$0x0] =	wrdreg $0x0  }
0xa9: {  	s6 =	sshll.u32 s28, $0x1;
	[dreg:$0x2] =	wrdreg s4  }
0xaa: {  	[dreg:$0x3] =	wrdreg s6  }
0xab: {  	[dreg:$0x4] =	wrdreg $0xC0  }
0xac: {  	_ =	task [dreg:s8], $0x5FFFF  }
0xad: {  	[dreg:$0x1] =	wrdreg $0xFFFFFFFF  }
0xae: {  	[dreg:$0x0] =	wrdreg $0x60  }
0xaf: {  	[dreg:$0x2] =	wrdreg s18  }
0xb0: {  	[dreg:$0x3] =	wrdreg s24  }
0xb1: {  	[dreg:$0x4] =	wrdreg s2  }
0xb2: {  	[dreg:$0x5] =	wrdreg $0xA8000  }
0xb3: {  	[dreg:$0x6] =	wrdreg $0x9  }
0xb4: {  	_ =	task.clear_ibuf [dreg:s8], $0x7FFFF;
	_ =	strace $0x90000046  }
0xb5: {  	s29 =	simm.s32 $0x9;
	_ =	strace $0x80000048  }
0xb6: {  	_ =	swait.ge [sflag:s29], $0x1  }
0xb7: {  	[sflag:s29] =	ssyncadd.s32 $0xFFFFFFFF  }
0xb8: {  	_ =	strace $0x90000048  }
0xb9: {  	_ =	sfence  }
0xba: {  	s30 =	sld [smem:$0x0];
	_ =	sdelay $0x2  }
0xbb: {  	s31 =	sshll.u32 s1, $0xD;
	s1 =	sshrl.u32 s1, $0x2  }
0xbc: {  	s3 =	sand.u32 $0x4000, s31;
	s1 =	sadd.s32 s1, s30  }
0xbd: {  	s0 =	sor.u32 s3, s0;
	s1 =	sshll.u32 s1, $0x11  }
0xbe: {  	s0 =	sor.u32 s1, s0  }
0xbf: {  	s0 =	sadd.s32 $0x8F2B, s0  }
0xc0: {  	[sflag:s0] =	ssyncadd.remote.s32 $0x1  }
0xc1: {  	_ =	sfence.sel $0xFFFF  }
0xc2: {  	[dreg:$0x0] =	wrdreg $0xFFFFFFFF;
	(pc) =	sbr.abs _section_cstart, $3  }
0xc3: {  	[dreg:$0x1] =	wrdreg $0xFFFFFFFF  }
0xc4: {  	_ =	task.clear_ibuf [dreg:s8], $0x2FFFF;
	_ =	strace $0x9FFFFFFF  }
0xc5: {  	(tm) =	ssettm $0x7FFFFFFF  }
tec
execute0_lowered:
.L_overlay_start_1:
0x0: {  	(tag) =	ssettag $0x1  }
0x1: {  	s12 =	rddreg [dreg:$0x0]  }
0x2: {  	s5 =	rddreg [dreg:$0x1]  }
0x3: {  	s1 =	rddreg [dreg:$0x2]  }
0x4: {  	s2 =	rddreg [dreg:$0x3];
	s4 =	simm.s32 $0x0;
	s6 =	srdreg.scid  }
0x5: {  	s3 =	stileid.u32;
	s24 =	simm.s32 $0x6800;
	s25 =	simm.s32 $0x1  }
0x6: {  	s28 =	simm.s32 $0x2700;
	s29 =	simm.s32 $0x2780;
	[smem:$0x7FF] =	sst s4  }
0x7: {  	s10 =	sand.u32 $0x1, s6;
	s7 =	smul.u32 $0x50000, s3;
	s13 =	sadd.s32 $0x1200, s5  }
0x8: {  	s14 =	smul.u32 $0x14000, s3;
	s18 =	sadd.s32 $0xB200, s5;
	s26 =	sshll.u32 s3, $0x1  }
0x9: {  	_ =	strace $0x80000047;
	s6 =	ssub.s32 $0x2, s10;
	s9 =	sor.u32 s10, s26  }
0xa: {  	s23 =	smul.u32 $0x140000, s10;
	s26 =	simm.s32 $0x2;
	s8 =	sshrl.u32 s6, $0x1  }
0xb: {  	s30 =	sshrl.u32 s7, $0x2;
	s15 =	sadd.s32 $0x4000, s14;
	s16 =	sadd.s32 $0x8000, s14  }
0xc: {  	s17 =	sadd.s32 $0xC000, s14;
	s11 =	smul.u32 $0x2800, s9;
	s20 =	sadd.s32 $0x10000, s14  }
0xd: {  	s21 =	smul.u32 $0x500, s9;
	s19 =	ssub.s32 s6, s8;
	s5 =	sadd.s32 s30, s2  }
0xe: {  	s6 =	sadd.s32 s15, s2;
	s7 =	sadd.s32 s16, s2;
	s8 =	sadd.s32 s17, s2  }
0xf: {  	s9 =	sadd.s32 s20, s2;
	s14 =	sadd.s32 s14, s23;
	s15 =	sadd.s32 s23, s15  }
0x10: {  	s16 =	sadd.s32 s23, s16;
	s17 =	sadd.s32 s23, s17;
	s20 =	sadd.s32 s23, s20  }
0x11: {  	s23 =	simm.s32 $0x80;
	s22 =	sshrl.u32 s11, $0x3;
	s10 =	sadd.s32 s12, s21  }
0x12: {  	s11 =	sadd.s32 s13, s21;
	s14 =	sshrl.u32 s14, $0x3;
	s15 =	sshrl.u32 s15, $0x3  }
0x13: {  	s16 =	sshrl.u32 s16, $0x3;
	s17 =	sshrl.u32 s17, $0x3;
	s20 =	sshrl.u32 s20, $0x3  }
0x14: {  	s19 =	smax.u32 s19, $0x1;
	s21 =	simm.s32 $0x3;
	s31 =	sadd.s32 $0x280, s22  }
0x15: {  	s14 =	sadd.s32 s18, s14;
	s15 =	sadd.s32 s18, s15;
	s16 =	sadd.s32 s18, s16  }
0x16: {  	s17 =	sadd.s32 s18, s17;
	s18 =	sadd.s32 s18, s20;
	s20 =	simm.s32 $0x2800  }
0x17: {  	v0 =	vimm.f32 $0.0e+00;
	s22 =	simm.s32 $0x1400;
	s12 =	sadd.s32 s12, s31;
	s13 =	sadd.s32 s13, s31  }
.LBB2_1:
0x18: {  	s30 =	simm.s32 $0x0;
	s31 =	simm.s32 $0x200  }
.LBB2_2:
0x19: {  	p0 =	sne.s32 s31, $0xFE00;
	[tilespmem:s30+$0x2870] =	vst v0  }
0x1a: {  	[tilespmem:s30+$0x2800] =	vst v0  }
0x1b: {  	[tilespmem:s30+$0x2810] =	vst v0  }
.Ltmp0:
0x1c: {  	[tilespmem:s30+$0x2820] =	vst v0;
	(pc) =	sbr.rel @p0 .LBB2_2-.Ltmp0, $4  }
0x1d: {  	[tilespmem:s30+$0x2830] =	vst v0  }
0x1e: {  	[tilespmem:s30+$0x2840] =	vst v0  }
0x1f: {  	[tilespmem:s30+$0x2850] =	vst v0  }
0x20: {  	[tilespmem:s30+$0x2860] =	vst v0;
	s30 =	sshra.s32 s31, $0x2;
	s31 =	sadd.s32 $0x200, s31  }
0x21: {  	[tilespmem:s30+$0x2870] =	vst v0  }
0x22: {  	[tilespmem:s30+$0x2800] =	vst v0  }
0x23: {  	[tilespmem:s30+$0x2810] =	vst v0  }
0x24: {  	[tilespmem:s30+$0x2820] =	vst v0  }
0x25: {  	[tilespmem:s30+$0x2830] =	vst v0  }
0x26: {  	[tilespmem:s30+$0x2840] =	vst v0  }
0x27: {  	[tilespmem:s30+$0x2850] =	vst v0  }
0x28: {  	[tilespmem:s30+$0x2860] =	vst v0  }
0x29: {  	[spmem:s5] =	stream.linear.scatter [tilespmem:s20], [sflag:$0x3], $0x4000, $0x38;
	[tilespmem:$0x1E800] =	vst v63  }
0x2a: {  	_ =	swait.ge [sflag:s21], $0x4000  }
0x2b: {  	[sflag:s21] =	ssyncset.done $0x0  }
0x2c: {  	[sflag:s21] =	ssyncadd.s32 $0xFFFFC000  }
0x2d: {  	[spmem:s6] =	stream.linear.scatter [tilespmem:s20], [sflag:$0x3], $0x4000, $0x38;
	[tilespmem:$0x1E800] =	vst v63  }
0x2e: {  	_ =	swait.ge [sflag:s21], $0x4000  }
0x2f: {  	[sflag:s21] =	ssyncset.done $0x0  }
0x30: {  	[sflag:s21] =	ssyncadd.s32 $0xFFFFC000  }
0x31: {  	[spmem:s7] =	stream.linear.scatter [tilespmem:s20], [sflag:$0x3], $0x4000, $0x38;
	[tilespmem:$0x1E800] =	vst v63  }
0x32: {  	_ =	swait.ge [sflag:s21], $0x4000  }
0x33: {  	[sflag:s21] =	ssyncset.done $0x0  }
0x34: {  	[sflag:s21] =	ssyncadd.s32 $0xFFFFC000  }
0x35: {  	[spmem:s8] =	stream.linear.scatter [tilespmem:s20], [sflag:$0x3], $0x4000, $0x38;
	[tilespmem:$0x1E800] =	vst v63  }
0x36: {  	_ =	swait.ge [sflag:s21], $0x4000  }
0x37: {  	[sflag:s21] =	ssyncset.done $0x0  }
0x38: {  	[sflag:s21] =	ssyncadd.s32 $0xFFFFC000  }
0x39: {  	[spmem:s9] =	stream.linear.scatter [tilespmem:s20], [sflag:$0x3], $0x4000, $0x38;
	[tilespmem:$0x1E800] =	vst v63  }
0x3a: {  	_ =	swait.ge [sflag:s21], $0x4000  }
0x3b: {  	[sflag:s21] =	ssyncset.done $0x0  }
0x3c: {  	[sflag:s21] =	ssyncadd.s32 $0xFFFFC000  }
0x3d: {  	s30 =	simm.s32 $0x0;
	[bflag:$0x0] =	sbarrier.arrive $0xFFFF  }
0x3e: {  	[tilespmem:s30], [sflag:$0x3] =	stream.linear.gather [hbm4b:s10+s30], $0x1400, $0x38;
	[tilespmem:$0x1E800] =	vst v63  }
0x3f: {  	_ =	swait.ge [sflag:s21], $0x1400  }
0x40: {  	[sflag:s21] =	ssyncset.done $0x0  }
0x41: {  	[sflag:s21] =	ssyncadd.s32 $0xFFFFEC00  }
0x42: {  	[tilespmem:s22], [sflag:$0x3] =	stream.linear.gather [hbm4b:s11+s30], $0x1400, $0x38;
	[tilespmem:$0x1E800] =	vst v63  }
0x43: {  	_ =	swait.ge [sflag:s21], $0x1400  }
0x44: {  	[sflag:s21] =	ssyncset.done $0x0  }
0x45: {  	[sflag:s21] =	ssyncadd.s32 $0xFFFFEC00  }
0x46: {  	[tilespmem:s20], [sflag:$0x1] =	stream.indirect.gather [hbm4b:s1+s23], $0x80, s30, s23, $0xb8;
	[tilespmem:$0x1E800] =	vst v63  }
0x47: {  	_ = 	snop  }
0x48: {  	[tilespmem:s24], [sflag:$0x2] =	stream.indirect.gather [hbm4b:s1+s23], $0x80, s23, s23, $0xb8;
	[tilespmem:$0x1E800] =	vst v63  }
0x49: {  	_ =	swait.ge [sflag:s25], $0x4000  }
0x4a: {  	[sflag:s25] =	ssyncset.done $0x0  }
0x4b: {  	s30 =	simm.s32 $0x1400;
	[sflag:s25] =	ssyncadd.s32 $0xFFFFC000  }
0x4c: {  	[spmem:s2] =	stream.indirect.scatter.add.f32 [tilespmem:s20], [sflag:$0x3], $0x80, s30, s23, $0xb8;
	[tilespmem:$0x1E800] =	vst v63  }
0x4d: {  	_ =	swait.ge [sflag:s21], $0x4000  }
0x4e: {  	[sflag:s21] =	ssyncset.done $0x0  }
0x4f: {  	s30 =	simm.s32 $0x100;
	[sflag:s21] =	ssyncadd.s32 $0xFFFFC000  }
0x50: {  	[tilespmem:s20], [sflag:$0x1] =	stream.indirect.gather [hbm4b:s1+s23], $0x80, s30, s23, $0xb8;
	[tilespmem:$0x1E800] =	vst v63  }
0x51: {  	_ =	swait.ge [sflag:s26], $0x4000  }
0x52: {  	[sflag:s26] =	ssyncset.done $0x0  }
0x53: {  	s30 =	simm.s32 $0x1480;
	[sflag:s26] =	ssyncadd.s32 $0xFFFFC000  }
0x54: {  	[spmem:s2] =	stream.indirect.scatter.add.f32 [tilespmem:s24], [sflag:$0x3], $0x80, s30, s23, $0xb8;
	[tilespmem:$0x1E800] =	vst v63  }
0x55: {  	_ =	swait.ge [sflag:s21], $0x4000  }
0x56: {  	[sflag:s21] =	ssyncset.done $0x0  }
0x57: {  	s31 =	simm.s32 $0x180;
	s30 =	simm.s32 $0x400;
	[sflag:s21] =	ssyncadd.s32 $0xFFFFC000  }
.LBB2_4:
0x58: {  	[tilespmem:s24], [sflag:$0x2] =	stream.indirect.gather [hbm4b:s1+s23], $0x80, s31, s23, $0xb8;
	[tilespmem:$0x1E800] =	vst v63  }
0x59: {  	s31 =	smov.u32 s30  }
0x5a: {  	p0 =	sne.s32 s30, $0x4800;
	s30 =	sadd.s32 $0x400, s30;
	_ =	swait.ge [sflag:s25], $0x4000  }
0x5b: {  	s31 =	sshra.s32 s31, $0x2;
	[sflag:s25] =	ssyncset.done $0x0  }
0x5c: {  	s0 =	sadd.s32 $0x1400, s31;
	[sflag:s25] =	ssyncadd.s32 $0xFFFFC000  }
0x5d: {  	[spmem:s2] =	stream.indirect.scatter.add.f32 [tilespmem:s20], [sflag:$0x3], $0x80, s0, s23, $0xb8;
	[tilespmem:$0x1E800] =	vst v63  }
0x5e: {  	_ =	swait.ge [sflag:s21], $0x4000  }
0x5f: {  	[sflag:s21] =	ssyncset.done $0x0  }
0x60: {  	s0 =	sadd.s32 $0x100, s31;
	[sflag:s21] =	ssyncadd.s32 $0xFFFFC000  }
0x61: {  	[tilespmem:s20], [sflag:$0x1] =	stream.indirect.gather [hbm4b:s1+s23], $0x80, s0, s23, $0xb8;
	[tilespmem:$0x1E800] =	vst v63  }
0x62: {  	_ =	swait.ge [sflag:s26], $0x4000  }
0x63: {  	[sflag:s26] =	ssyncset.done $0x0  }
.Ltmp1:
0x64: {  	s0 =	sadd.s32 $0x1480, s31;
	[sflag:s26] =	ssyncadd.s32 $0xFFFFC000;
	(pc) =	sbr.rel @p0 .LBB2_4-.Ltmp1, $4  }
0x65: {  	[spmem:s2] =	stream.indirect.scatter.add.f32 [tilespmem:s24], [sflag:$0x3], $0x80, s0, s23, $0xb8;
	[tilespmem:$0x1E800] =	vst v63  }
0x66: {  	_ =	swait.ge [sflag:s21], $0x4000  }
0x67: {  	[sflag:s21] =	ssyncset.done $0x0  }
0x68: {  	s31 =	sadd.s32 $0x180, s31;
	[sflag:s21] =	ssyncadd.s32 $0xFFFFC000  }
0x69: {  	[tilespmem:s24], [sflag:$0x2] =	stream.indirect.gather [hbm4b:s1+s23], $0x80, s31, s23, $0xb8;
	[tilespmem:$0x1E800] =	vst v63  }
0x6a: {  	_ =	swait.ge [sflag:s25], $0x4000  }
0x6b: {  	[sflag:s25] =	ssyncset.done $0x0  }
0x6c: {  	[sflag:s25] =	ssyncadd.s32 $0xFFFFC000  }
0x6d: {  	[spmem:s2] =	stream.indirect.scatter.add.f32 [tilespmem:s20], [sflag:$0x3], $0x80, s28, s23, $0xb8;
	[tilespmem:$0x1E800] =	vst v63  }
0x6e: {  	_ =	swait.ge [sflag:s21], $0x4000  }
0x6f: {  	[sflag:s21] =	ssyncset.done $0x0  }
0x70: {  	[sflag:s21] =	ssyncadd.s32 $0xFFFFC000  }
0x71: {  	_ =	swait.ge [sflag:s26], $0x4000  }
0x72: {  	[sflag:s26] =	ssyncset.done $0x0  }
0x73: {  	[sflag:s26] =	ssyncadd.s32 $0xFFFFC000  }
0x74: {  	[spmem:s2] =	stream.indirect.scatter.add.f32 [tilespmem:s24], [sflag:$0x3], $0x80, s29, s23, $0xb8;
	[tilespmem:$0x1E800] =	vst v63  }
0x75: {  	_ =	swait.ge [sflag:s21], $0x4000  }
0x76: {  	[sflag:s21] =	ssyncset.done $0x0  }
0x77: {  	s0 =	simm.s32 $0x0;
	[sflag:s21] =	ssyncadd.s32 $0xFFFFC000  }
0x78: {  	[tilespmem:s0], [sflag:$0x3] =	stream.linear.gather [hbm4b:s12+s0], $0x1400, $0x38;
	[tilespmem:$0x1E800] =	vst v63  }
0x79: {  	_ =	swait.ge [sflag:s21], $0x1400  }
0x7a: {  	[sflag:s21] =	ssyncset.done $0x0  }
0x7b: {  	[sflag:s21] =	ssyncadd.s32 $0xFFFFEC00  }
0x7c: {  	[tilespmem:s22], [sflag:$0x3] =	stream.linear.gather [hbm4b:s13+s0], $0x1400, $0x38;
	[tilespmem:$0x1E800] =	vst v63  }
0x7d: {  	_ =	swait.ge [sflag:s21], $0x1400  }
0x7e: {  	[sflag:s21] =	ssyncset.done $0x0  }
0x7f: {  	[sflag:s21] =	ssyncadd.s32 $0xFFFFEC00  }
0x80: {  	[tilespmem:s20], [sflag:$0x1] =	stream.indirect.gather [hbm4b:s1+s23], $0x80, s0, s23, $0xb8;
	[tilespmem:$0x1E800] =	vst v63  }
0x81: {  	_ = 	snop  }
0x82: {  	[tilespmem:s24], [sflag:$0x2] =	stream.indirect.gather [hbm4b:s1+s23], $0x80, s23, s23, $0xb8;
	[tilespmem:$0x1E800] =	vst v63  }
0x83: {  	_ =	swait.ge [sflag:s25], $0x4000  }
0x84: {  	[sflag:s25] =	ssyncset.done $0x0  }
0x85: {  	s0 =	simm.s32 $0x1400;
	[sflag:s25] =	ssyncadd.s32 $0xFFFFC000  }
0x86: {  	[spmem:s2] =	stream.indirect.scatter.add.f32 [tilespmem:s20], [sflag:$0x3], $0x80, s0, s23, $0xb8;
	[tilespmem:$0x1E800] =	vst v63  }
0x87: {  	_ =	swait.ge [sflag:s21], $0x4000  }
0x88: {  	[sflag:s21] =	ssyncset.done $0x0  }
0x89: {  	s0 =	simm.s32 $0x100;
	[sflag:s21] =	ssyncadd.s32 $0xFFFFC000  }
0x8a: {  	[tilespmem:s20], [sflag:$0x1] =	stream.indirect.gather [hbm4b:s1+s23], $0x80, s0, s23, $0xb8;
	[tilespmem:$0x1E800] =	vst v63  }
0x8b: {  	_ =	swait.ge [sflag:s26], $0x4000  }
0x8c: {  	[sflag:s26] =	ssyncset.done $0x0  }
0x8d: {  	s0 =	simm.s32 $0x1480;
	[sflag:s26] =	ssyncadd.s32 $0xFFFFC000  }
0x8e: {  	[spmem:s2] =	stream.indirect.scatter.add.f32 [tilespmem:s24], [sflag:$0x3], $0x80, s0, s23, $0xb8;
	[tilespmem:$0x1E800] =	vst v63  }
0x8f: {  	_ =	swait.ge [sflag:s21], $0x4000  }
0x90: {  	[sflag:s21] =	ssyncset.done $0x0  }
0x91: {  	s30 =	simm.s32 $0x400;
	s31 =	simm.s32 $0x180;
	[sflag:s21] =	ssyncadd.s32 $0xFFFFC000  }
.LBB2_6:
0x92: {  	[tilespmem:s24], [sflag:$0x2] =	stream.indirect.gather [hbm4b:s1+s23], $0x80, s31, s23, $0xb8;
	[tilespmem:$0x1E800] =	vst v63  }
0x93: {  	s0 =	smov.u32 s30  }
0x94: {  	p0 =	sne.s32 s30, $0x4800;
	s30 =	sadd.s32 $0x400, s30;
	_ =	swait.ge [sflag:s25], $0x4000  }
0x95: {  	s0 =	sshra.s32 s0, $0x2;
	[sflag:s25] =	ssyncset.done $0x0  }
0x96: {  	s31 =	sadd.s32 $0x1400, s0;
	[sflag:s25] =	ssyncadd.s32 $0xFFFFC000  }
0x97: {  	[spmem:s2] =	stream.indirect.scatter.add.f32 [tilespmem:s20], [sflag:$0x3], $0x80, s31, s23, $0xb8;
	[tilespmem:$0x1E800] =	vst v63  }
0x98: {  	_ =	swait.ge [sflag:s21], $0x4000  }
0x99: {  	[sflag:s21] =	ssyncset.done $0x0  }
0x9a: {  	s31 =	sadd.s32 $0x100, s0;
	[sflag:s21] =	ssyncadd.s32 $0xFFFFC000  }
0x9b: {  	[tilespmem:s20], [sflag:$0x1] =	stream.indirect.gather [hbm4b:s1+s23], $0x80, s31, s23, $0xb8;
	[tilespmem:$0x1E800] =	vst v63  }
0x9c: {  	_ =	swait.ge [sflag:s26], $0x4000  }
0x9d: {  	[sflag:s26] =	ssyncset.done $0x0  }
.Ltmp2:
0x9e: {  	s31 =	sadd.s32 $0x1480, s0;
	[sflag:s26] =	ssyncadd.s32 $0xFFFFC000;
	(pc) =	sbr.rel @p0 .LBB2_6-.Ltmp2, $4  }
0x9f: {  	[spmem:s2] =	stream.indirect.scatter.add.f32 [tilespmem:s24], [sflag:$0x3], $0x80, s31, s23, $0xb8;
	[tilespmem:$0x1E800] =	vst v63  }
0xa0: {  	_ =	swait.ge [sflag:s21], $0x4000  }
0xa1: {  	[sflag:s21] =	ssyncset.done $0x0  }
0xa2: {  	s31 =	sadd.s32 $0x180, s0;
	[sflag:s21] =	ssyncadd.s32 $0xFFFFC000  }
0xa3: {  	[tilespmem:s24], [sflag:$0x2] =	stream.indirect.gather [hbm4b:s1+s23], $0x80, s31, s23, $0xb8;
	[tilespmem:$0x1E800] =	vst v63  }
0xa4: {  	_ =	swait.ge [sflag:s25], $0x4000  }
0xa5: {  	[sflag:s25] =	ssyncset.done $0x0  }
0xa6: {  	[sflag:s25] =	ssyncadd.s32 $0xFFFFC000  }
0xa7: {  	[spmem:s2] =	stream.indirect.scatter.add.f32 [tilespmem:s20], [sflag:$0x3], $0x80, s28, s23, $0xb8;
	[tilespmem:$0x1E800] =	vst v63  }
0xa8: {  	_ =	swait.ge [sflag:s21], $0x4000  }
0xa9: {  	[sflag:s21] =	ssyncset.done $0x0  }
0xaa: {  	[sflag:s21] =	ssyncadd.s32 $0xFFFFC000  }
0xab: {  	_ =	swait.ge [sflag:s26], $0x4000  }
0xac: {  	[sflag:s26] =	ssyncset.done $0x0  }
0xad: {  	[sflag:s26] =	ssyncadd.s32 $0xFFFFC000  }
0xae: {  	[spmem:s2] =	stream.indirect.scatter.add.f32 [tilespmem:s24], [sflag:$0x3], $0x80, s29, s23, $0xb8;
	[tilespmem:$0x1E800] =	vst v63  }
0xaf: {  	_ =	swait.ge [sflag:s21], $0x4000  }
0xb0: {  	[sflag:s21] =	ssyncset.done $0x0  }
0xb1: {  	s0 =	sshll.u32 s3, $0x6;
	[sflag:s21] =	ssyncadd.s32 $0xFFFFC000  }
0xb2: {  	s30 =	sshrl.u32 s5, $0x3;
	s0 =	sor.u32 $0x1C03, s0;
	[bflag:$0x0] =	sbarrier.arrive $0xFFFF  }
0xb3: {  	[hbm:s14], [sflag:s0] =	dma.local [spmem:s30], $0x800  }
0xb4: {  	_ =	swait.ge [sflag:s21], $0x800  }
0xb5: {  	[sflag:s21] =	ssyncset.done $0x0  }
0xb6: {  	s31 =	sshrl.u32 s6, $0x3;
	[sflag:s21] =	ssyncadd.s32 $0xFFFFF800  }
0xb7: {  	[hbm:s15], [sflag:s0] =	dma.local [spmem:s31], $0x800  }
0xb8: {  	_ =	swait.ge [sflag:s21], $0x800  }
0xb9: {  	[sflag:s21] =	ssyncset.done $0x0  }
0xba: {  	s31 =	sshrl.u32 s7, $0x3;
	[sflag:s21] =	ssyncadd.s32 $0xFFFFF800  }
0xbb: {  	[hbm:s16], [sflag:s0] =	dma.local [spmem:s31], $0x800  }
0xbc: {  	_ =	swait.ge [sflag:s21], $0x800  }
0xbd: {  	[sflag:s21] =	ssyncset.done $0x0  }
0xbe: {  	s31 =	sshrl.u32 s8, $0x3;
	[sflag:s21] =	ssyncadd.s32 $0xFFFFF800  }
0xbf: {  	[hbm:s17], [sflag:s0] =	dma.local [spmem:s31], $0x800  }
0xc0: {  	s4 =	sadd.s32 $0x1, s4;
	_ =	swait.ge [sflag:s21], $0x800  }
0xc1: {  	p0 =	sne.s32 s4, s19;
	[sflag:s21] =	ssyncset.done $0x0  }
.Ltmp3:
0xc2: {  	s31 =	sshrl.u32 s9, $0x3;
	[sflag:s21] =	ssyncadd.s32 $0xFFFFF800;
	(pc) =	sbr.rel @p0 .LBB2_1-.Ltmp3, $4  }
0xc3: {  	[hbm:s18], [sflag:s0] =	dma.local [spmem:s31], $0x800  }
0xc4: {  	_ =	swait.ge [sflag:s21], $0x800  }
0xc5: {  	[sflag:s21] =	ssyncset.done $0x0  }
0xc6: {  	[sflag:s21] =	ssyncadd.s32 $0xFFFFF800  }
0xc7: {  	_ =	sfence.sel $0x180000  }
0xc8: {  	[bflag:$0x0] =	sbarrier.arrive $0xFFFF  }
0xc9: {  	_ =	strace $0x90000047  }
0xca: {  	[bflag:$0x2] =	sbarrier.arrive $0xFFFF  }
0xcb: {  	p0 =	sne.s32 s3, $0x0;
	s0 =	rddreg [dreg:$0x4]  }
0xcc: {  	s0 =	sadd.s32 @!p0 $0x100000, s0  }
0xcd: {  	[sflag:s0] =	ssyncadd.tile.s32 @!p0 $0x1;
	_ =	shalt  }
.Lfunc_end2:
_tile_overlayer_lowered:
.L_overlay_start_2:
0xce: {  	(tag) =	ssettag $0x2  }
0xcf: {  	s0 =	rddreg [dreg:$0x0];
	s2 =	stileid.u32  }
0xd0: {  	s1 =	rddreg [dreg:$0x1];
	p0 =	sne.s32 s2, $0x0  }
0xd1: {  	s3 =	rddreg [dreg:$0x2];
	[bflag:$0x3] =	sbarrier.arrive $0xFFFF;
	s2 =	simm.s32 @!p0 $0x1C03  }
0xd2: {  	[timem:s3], [sflag:s2] =	dma.local @!p0 [hbm:s0], s1  }
0xd3: {  	s0 =	simm.s32 @!p0 $0x3  }
0xd4: {  	_ =	swait.ge @!p0 [sflag:s0], s1  }
0xd5: {  	s1 =	ssub.s32 @!p0 $0x0, s1;
	[sflag:s0] =	ssyncset.done @!p0 $0x0  }
0xd6: {  	[sflag:s0] =	ssyncadd.s32 @!p0 s1  }
0xd7: {  	[bflag:$0x3] =	sbarrier.arrive $0xFFFF  }
0xd8: {  	_ =	shalt  }

</sc_bundles>
